<compile_context>
chip_gen: v7x
topology: tpu7x:2x2x1
jax: 0.10.2.dev20260603
libtpu: 0.0.44.dev20260713+nightly
codegen_flags: <defaults>
</compile_context>

<pallas_src>
import functools

import jax
import jax.numpy as jnp
from jax.experimental import pallas as pl
from jax.experimental.pallas import tpu as pltpu
from jax.experimental.pallas import tpu_sc as plsc

B, C, L = 64, 1, 1632
H, D, K = 64, 512, 1024
T = L // 4
N = B * T
BLK = 256
GRID = N // BLK
BLK_E = 512
GRID_E = N // BLK_E


def _enc_vq_kernel(img4_ref, w1e_ref, b1e_ref, W2e_ref, b2e_ref, w3e_ref,
                   b3e_ref, cbT_ref, idx_ref, commit_ref, c2_ref):
    step = pl.program_id(0)

    @pl.when(step == 0)
    def _init():
        cbT = cbT_ref[...]
        c2_ref[...] = jnp.sum(cbT * cbT, axis=0, keepdims=True)
        commit_ref[...] = jnp.zeros_like(commit_ref)

    img4 = img4_ref[...]
    w1e = w1e_ref[...]
    b1e = b1e_ref[...]
    h1e = jax.nn.relu(img4[:, 0:1] * w1e[0:1, :] + img4[:, 1:2] * w1e[1:2, :] + b1e)
    h1o = jax.nn.relu(img4[:, 2:3] * w1e[0:1, :] + img4[:, 3:4] * w1e[1:2, :] + b1e)
    h12 = jnp.concatenate([h1e, h1o], axis=1)
    h2 = jax.nn.relu(jnp.dot(h12, W2e_ref[...], preferred_element_type=jnp.float32)
                     + b2e_ref[...])
    x = jnp.dot(h2, w3e_ref[...], preferred_element_type=jnp.float32) + b3e_ref[...]

    x2 = jnp.sum(x * x, axis=1, keepdims=True)
    scores = jnp.dot(x, cbT_ref[...], preferred_element_type=jnp.float32)
    dist = x2 - 2.0 * scores + c2_ref[...]
    m = jnp.min(dist, axis=1, keepdims=True)
    iota = jax.lax.broadcasted_iota(jnp.int32, dist.shape, 1)
    idx_ref[...] = jnp.min(jnp.where(dist == m, iota, K), axis=1, keepdims=True)
    commit_ref[...] += jnp.sum(m).reshape(1, 1)


def _table_kernel(cb_ref, w1d_ref, table_ref):
    table_ref[...] = jnp.dot(cb_ref[...], w1d_ref[...],
                             preferred_element_type=jnp.float32)


def _dec_kernel(h1pre_ref, img4_ref, b1d_ref, W2d_ref, b2d_ref, W3d_ref,
                b3d_ref, out4_ref, recon_ref):
    step = pl.program_id(0)

    @pl.when(step == 0)
    def _init():
        recon_ref[...] = jnp.zeros_like(recon_ref)

    h1d = jax.nn.relu(h1pre_ref[...] + b1d_ref[...])
    h2d = jax.nn.relu(jnp.dot(h1d, W2d_ref[...], preferred_element_type=jnp.float32)
                      + b2d_ref[...])
    out4 = jnp.dot(h2d, W3d_ref[...], preferred_element_type=jnp.float32) + b3d_ref[...]
    out4_ref[...] = out4
    diff = img4_ref[...] - out4
    recon_ref[...] += jnp.sum(diff * diff).reshape(1, 1)


_NW = 32


def _sc_gather(table, idx, chunk):
    n = idx.shape[0]
    dcol = table.shape[1]
    per_w = n // _NW
    nchunk = per_w // chunk
    mesh = plsc.VectorSubcoreMesh(core_axis_name="c", subcore_axis_name="s")

    @functools.partial(
        pl.kernel, mesh=mesh,
        out_type=jax.ShapeDtypeStruct((n, dcol), table.dtype),
        scratch_types=[pltpu.VMEM((chunk,), jnp.int32),
                       pltpu.VMEM((chunk, dcol), table.dtype),
                       pltpu.SemaphoreType.DMA])
    def kern(table_hbm, idx_hbm, out_hbm, idx_v, rows_v, sem):
        wid = jax.lax.axis_index("s") * 2 + jax.lax.axis_index("c")
        base = wid * per_w

        @pl.loop(0, nchunk)
        def _(ci):
            off = base + ci * chunk
            pltpu.sync_copy(idx_hbm.at[pl.ds(off, chunk)], idx_v)
            pltpu.async_copy(table_hbm.at[idx_v], rows_v, sem).wait()
            pltpu.sync_copy(rows_v, out_hbm.at[pl.ds(off, chunk)])

    return kern(table, idx)


@jax.jit
def kernel(img, enc_w1, enc_b1, enc_w2, enc_b2, enc_w3, enc_b3, codebook,
           dec_w1, dec_b1, dec_w2, dec_b2, dec_w3, dec_b3):
    f32 = jnp.float32
    img4 = img.reshape(B, T, 4).reshape(N, 4)

    w1e = enc_w1[:, 0, :].T
    W2e = enc_w2.transpose(2, 1, 0).reshape(2 * H, H)
    w3e = enc_w3[:, :, 0].T
    cbT = codebook.T
    w1d = dec_w1[:, :, ::-1].transpose(0, 2, 1).reshape(D, 2 * H)
    b1d = jnp.tile(dec_b1, 2)[None, :]
    dw2f = dec_w2[:, :, ::-1]
    zer = jnp.zeros((H, H), f32)
    W2d = jnp.concatenate([
        jnp.concatenate([dw2f[:, :, 0], dw2f[:, :, 1], zer, zer], axis=1),
        jnp.concatenate([zer, zer, dw2f[:, :, 0], dw2f[:, :, 1]], axis=1),
    ], axis=0)
    b2d = jnp.tile(dec_b2, 4)[None, :]
    w3v = dec_w3[0, :, 0]
    zv = jnp.zeros((H,), f32)
    W3d = jnp.stack([
        jnp.concatenate([w3v, zv, zv, zv]),
        jnp.concatenate([zv, w3v, zv, zv]),
        jnp.concatenate([zv, zv, w3v, zv]),
        jnp.concatenate([zv, zv, zv, w3v]),
    ], axis=1)
    b3d = dec_b3[None, :]

    full = lambda shape: pl.BlockSpec(shape, lambda i: (0, 0))

    idx, commit_acc = pl.pallas_call(
        _enc_vq_kernel,
        grid=(GRID,),
        in_specs=[
            pl.BlockSpec((BLK, 4), lambda i: (i, 0)),
            full((2, H)), full((1, H)), full((2 * H, H)), full((1, H)),
            full((H, D)), full((1, D)), full((D, K)),
        ],
        out_specs=[
            pl.BlockSpec((BLK, 1), lambda i: (i, 0)),
            pl.BlockSpec((1, 1), lambda i: (0, 0)),
        ],
        out_shape=[
            jax.ShapeDtypeStruct((N, 1), jnp.int32),
            jax.ShapeDtypeStruct((1, 1), f32),
        ],
        scratch_shapes=[pltpu.VMEM((1, K), f32)],
    )(img4, w1e, enc_b1[None, :], W2e, enc_b2[None, :], w3e, enc_b3[None, :], cbT)

    table = pl.pallas_call(
        _table_kernel,
        in_specs=[pl.BlockSpec((K, D), lambda: (0, 0)),
                  pl.BlockSpec((D, 2 * H), lambda: (0, 0))],
        out_specs=pl.BlockSpec((K, 2 * H), lambda: (0, 0)),
        out_shape=jax.ShapeDtypeStruct((K, 2 * H), f32),
    )(codebook, w1d)

    idx1d = idx.reshape(N)
    h1pre = _sc_gather(table, idx1d, chunk=816)
    q = _sc_gather(codebook, idx1d, chunk=136)

    out4, recon_acc = pl.pallas_call(
        _dec_kernel,
        grid=(GRID_E,),
        in_specs=[
            pl.BlockSpec((BLK_E, 2 * H), lambda i: (i, 0)),
            pl.BlockSpec((BLK_E, 4), lambda i: (i, 0)),
            full((1, 2 * H)), full((2 * H, 4 * H)), full((1, 4 * H)),
            full((4 * H, 4)), full((1, 1)),
        ],
        out_specs=[
            pl.BlockSpec((BLK_E, 4), lambda i: (i, 0)),
            pl.BlockSpec((1, 1), lambda i: (0, 0)),
        ],
        out_shape=[
            jax.ShapeDtypeStruct((N, 4), f32),
            jax.ShapeDtypeStruct((1, 1), f32),
        ],
    )(h1pre, img4, b1d, W2d, b2d, W3d, b3d)

    out = out4.reshape(B, T * 4)[:, None, :]
    recon_loss = recon_acc[0, 0] / (B * C * L)
    commit_loss = commit_acc[0, 0] / (B * T * D)
    indices = idx[:, 0].reshape(B, T)
    quantized = q.reshape(B, T, D).transpose(0, 2, 1)
    return (out, recon_loss, commit_loss, indices, quantized)

# --- scband reference (transcript-rebuilt; emitter-appended) ---
"""Pipeline reference for scband-vqvae-1640677507238 (READ-ONLY COPY).

The authoritative reference and input builder live on the scoring server;
editing this copy changes nothing except your own understanding.
"""

import jax, jax.numpy as jnp
import numpy as np


def conv1d(x, w, b, stride):
    # x: [N, C, L], w: [O, I, K] (OIH)
    out = jax.lax.conv_general_dilated(x, w, (stride,), 'VALID',
                                       dimension_numbers=('NCH', 'OIH', 'NCH'))
    return out + b[None, :, None]


def convT1d(x, w, b, stride):
    # x: [N, C, L], w: [I, O, K] (IOH)
    out = jax.lax.conv_transpose(x, w, (stride,), 'VALID',
                                 dimension_numbers=('NCH', 'IOH', 'NCH'))
    return out + b[None, :, None]


def setup_inputs(seed: int = 0) -> dict:
    key = jax.random.key(seed)
    ks = jax.random.split(key, 16)
    B, C, L = 64, 1, 1632
    H, D, K = 64, 512, 1024
    s = 0.05
    inp = {}
    inp['img'] = jax.random.normal(ks[0], (B, C, L), dtype=jnp.float32)
    # encoder: Conv1d(1,64,2,s2) -> ReLU -> Conv1d(64,64,2,s2) -> ReLU -> Conv1d(64,512,1)
    inp['enc_w1'] = jax.random.normal(ks[1], (H, C, 2), dtype=jnp.float32) * s
    inp['enc_b1'] = jnp.zeros((H,), dtype=jnp.float32)
    inp['enc_w2'] = jax.random.normal(ks[2], (H, H, 2), dtype=jnp.float32) * s
    inp['enc_b2'] = jnp.zeros((H,), dtype=jnp.float32)
    inp['enc_w3'] = jax.random.normal(ks[3], (D, H, 1), dtype=jnp.float32) * s
    inp['enc_b3'] = jnp.zeros((D,), dtype=jnp.float32)
    # VQ codebook [K, D]
    inp['codebook'] = jax.random.normal(ks[4], (K, D), dtype=jnp.float32)
    # decoder: ConvT1d(512,64,2,s2) -> ReLU -> ConvT1d(64,64,2,s2) -> ReLU -> Conv1d(64,1,1)
    inp['dec_w1'] = jax.random.normal(ks[5], (D, H, 2), dtype=jnp.float32) * s
    inp['dec_b1'] = jnp.zeros((H,), dtype=jnp.float32)
    inp['dec_w2'] = jax.random.normal(ks[6], (H, H, 2), dtype=jnp.float32) * s
    inp['dec_b2'] = jnp.zeros((H,), dtype=jnp.float32)
    inp['dec_w3'] = jax.random.normal(ks[7], (C, H, 1), dtype=jnp.float32) * s
    inp['dec_b3'] = jnp.zeros((C,), dtype=jnp.float32)
    return inp


def reference(img, enc_w1, enc_b1, enc_w2, enc_b2, enc_w3, enc_b3,
              codebook, dec_w1, dec_b1, dec_w2, dec_b2, dec_w3, dec_b3):
    commitment_weight = 1.0
    # encoder
    h = jax.nn.relu(conv1d(img, enc_w1, enc_b1, 2))
    h = jax.nn.relu(conv1d(h, enc_w2, enc_b2, 2))
    encoded = conv1d(h, enc_w3, enc_b3, 1)            # [B, D, T]
    x = jnp.transpose(encoded, (0, 2, 1))             # [B, T, D]
    # vector quantize: nearest codeword by squared euclidean distance
    x2 = jnp.sum(x * x, axis=-1, keepdims=True)       # [B, T, 1]
    c2 = jnp.sum(codebook * codebook, axis=-1)        # [K]
    dist = x2 - 2.0 * jnp.einsum('btd,kd->btk', x, codebook) + c2[None, None, :]
    indices = jnp.argmin(dist, axis=-1)               # [B, T] int
    q = jnp.take(codebook, indices, axis=0)           # [B, T, D] gather
    commit_loss = jnp.mean((jax.lax.stop_gradient(q) - x) ** 2) * commitment_weight
    q_st = x + jax.lax.stop_gradient(q - x)           # straight-through
    quantized = jnp.transpose(q_st, (0, 2, 1))        # [B, D, T]
    # decoder
    h = jax.nn.relu(convT1d(quantized, dec_w1, dec_b1, 2))
    h = jax.nn.relu(convT1d(h, dec_w2, dec_b2, 2))
    out = conv1d(h, dec_w3, dec_b3, 1)                # [B, 1, L]
    recon_loss = jnp.mean((img - out) ** 2)
    return (out, recon_loss, commit_loss, indices, quantized)

if __name__ == "__main__":
    import jax
    _d = setup_inputs()
    print(jax.jit(kernel)(*tuple(_d.values())))

</pallas_src>

<mosaic_0001>
#map = affine_map<(d0, d1) -> (0, 0)>
#map1 = affine_map<(d0, d1) -> (0)>
module attributes {stable_mosaic.version = 14 : i64} {
  func.func @kern(%arg0: i32, %arg1: i32, %arg2: memref<1024x512xf32, #tpu.memory_space<hbm>>, %arg3: memref<26112xi32, #tpu.memory_space<hbm>>, %arg4: memref<26112x512xf32, #tpu.memory_space<hbm>>, %arg5: memref<136xi32, #tpu.memory_space<vmem>>, %arg6: memref<136x512xf32, #tpu.memory_space<vmem>>, %arg7: memref<!tpu.dma_semaphore, #tpu.memory_space<semaphore_mem>>) attributes {dimension_semantics = [#tpu.dimension_semantics<core_parallel>, #tpu.dimension_semantics<subcore_parallel>], iteration_bounds = array<i64: 2, 16>, scalar_prefetch = 0 : i64, scratch_operands = 3 : i64, tpu.core_type = #tpu.core_type<sc_vector_subcore>, window_params = [{transform_indices = #map}, {transform_indices = #map1}, {transform_indices = #map}]} {
    %mul3A = arith.constant 2 : i32
    %mul3A_0 = arith.muli %arg1, %mul3A : i32
    %add3A = arith.addi %mul3A_0, %arg0 : i32
    %mul3A_1 = arith.constant 816 : i32
    %mul3A_2 = arith.muli %add3A, %mul3A_1 : i32
    %scan3A = arith.constant 0 : i32
    %scan3A_3 = arith.constant 6 : i32
    %scan3A_4 = arith.addi %scan3A, %scan3A_3 : i32
    %scan3A_5 = arith.constant 1 : i32
    scf.for %scan3A_7 = %scan3A to %scan3A_4 step %scan3A_5  : i32 {
      %mul3A_8 = arith.constant 1 : i32
      %mul3A_9 = arith.muli %scan3A_7, %mul3A_8 : i32
      %add3A_10 = arith.constant 0 : i32
      %add3A_11 = arith.addi %add3A_10, %mul3A_9 : i32
      %mul3A_12 = arith.constant 136 : i32
      %mul3A_13 = arith.muli %add3A_11, %mul3A_12 : i32
      %add3A_14 = arith.addi %mul3A_2, %mul3A_13 : i32
      "tpu.region"() ({
        %run_scoped3A = tpu.sem_alloc : memref<!tpu.dma_semaphore, #tpu.memory_space<semaphore_mem>>
        %dma_start3A_19 = tpu.memref_slice %arg3[%add3A_14] : memref<26112xi32, #tpu.memory_space<hbm>> -> memref<136xi32, #tpu.memory_space<hbm>>
        %dma_start3A_20 = tpu.memref_slice %arg3[%add3A_14] : memref<26112xi32, #tpu.memory_space<hbm>> -> memref<136xi32, #tpu.memory_space<hbm>>
        tpu.enqueue_dma source(%dma_start3A_20 : memref<136xi32, #tpu.memory_space<hbm>>) target(%arg5 : memref<136xi32, #tpu.memory_space<vmem>>) target_semaphore(%run_scoped3A : memref<!tpu.dma_semaphore, #tpu.memory_space<semaphore_mem>>)
        %dma_wait3A_21 = tpu.memref_slice %arg3[%add3A_14] : memref<26112xi32, #tpu.memory_space<hbm>> -> memref<136xi32, #tpu.memory_space<hbm>>
        %dma_wait3A_22 = tpu.memref_slice %arg3[%add3A_14] : memref<26112xi32, #tpu.memory_space<hbm>> -> memref<136xi32, #tpu.memory_space<hbm>>
        tpu.wait_dma2 semaphore(%run_scoped3A : memref<!tpu.dma_semaphore, #tpu.memory_space<semaphore_mem>>) src(%dma_wait3A_22 : memref<136xi32, #tpu.memory_space<hbm>>) dst(%arg5 : memref<136xi32, #tpu.memory_space<vmem>>)
        tpu.yield
      }) : () -> ()
      %dma_start3A = arith.constant 0 : i32
      %dma_start3A_15 = arith.constant 0 : i32
      %dma_start3A_16 = tpu.memref_slice %arg2[%dma_start3A, %dma_start3A_15] : memref<1024x512xf32, #tpu.memory_space<hbm>> -> memref<1024x512xf32, #tpu.memory_space<hbm>>
      tpu.enqueue_indirect_dma source(%dma_start3A_16 : memref<1024x512xf32, #tpu.memory_space<hbm>>) target(%arg6 : memref<136x512xf32, #tpu.memory_space<vmem>>) offsets(%arg5 : memref<136xi32, #tpu.memory_space<vmem>>) semaphore(%arg7 : memref<!tpu.dma_semaphore, #tpu.memory_space<semaphore_mem>>)
      %dma_wait3A = arith.constant 0 : i32
      %dma_wait3A_17 = arith.constant 0 : i32
      %dma_wait3A_18 = tpu.memref_slice %arg2[%dma_wait3A, %dma_wait3A_17] : memref<1024x512xf32, #tpu.memory_space<hbm>> -> memref<1024x512xf32, #tpu.memory_space<hbm>>
      tpu.wait_indirect_dma semaphore(%arg7 : memref<!tpu.dma_semaphore, #tpu.memory_space<semaphore_mem>>) src(%dma_wait3A_18 : memref<1024x512xf32, #tpu.memory_space<hbm>>) dst(%arg6 : memref<136x512xf32, #tpu.memory_space<vmem>>)
      "tpu.region"() ({
        %run_scoped3A = tpu.sem_alloc : memref<!tpu.dma_semaphore, #tpu.memory_space<semaphore_mem>>
        %dma_start3A_19 = arith.constant 0 : i32
        %dma_start3A_20 = tpu.memref_slice %arg4[%add3A_14, %dma_start3A_19] : memref<26112x512xf32, #tpu.memory_space<hbm>> -> memref<136x512xf32, #tpu.memory_space<hbm>>
        %dma_start3A_21 = arith.constant 0 : i32
        %dma_start3A_22 = tpu.memref_slice %arg4[%add3A_14, %dma_start3A_21] : memref<26112x512xf32, #tpu.memory_space<hbm>> -> memref<136x512xf32, #tpu.memory_space<hbm>>
        tpu.enqueue_dma source(%arg6 : memref<136x512xf32, #tpu.memory_space<vmem>>) target(%dma_start3A_22 : memref<136x512xf32, #tpu.memory_space<hbm>>) target_semaphore(%run_scoped3A : memref<!tpu.dma_semaphore, #tpu.memory_space<semaphore_mem>>)
        %dma_wait3A_23 = arith.constant 0 : i32
        %dma_wait3A_24 = tpu.memref_slice %arg4[%add3A_14, %dma_wait3A_23] : memref<26112x512xf32, #tpu.memory_space<hbm>> -> memref<136x512xf32, #tpu.memory_space<hbm>>
        %dma_wait3A_25 = arith.constant 0 : i32
        %dma_wait3A_26 = tpu.memref_slice %arg4[%add3A_14, %dma_wait3A_25] : memref<26112x512xf32, #tpu.memory_space<hbm>> -> memref<136x512xf32, #tpu.memory_space<hbm>>
        tpu.wait_dma2 semaphore(%run_scoped3A : memref<!tpu.dma_semaphore, #tpu.memory_space<semaphore_mem>>) src(%arg6 : memref<136x512xf32, #tpu.memory_space<vmem>>) dst(%dma_wait3A_26 : memref<136x512xf32, #tpu.memory_space<hbm>>)
        tpu.yield
      }) : () -> ()
    }
    %scan3A_6 = arith.constant 6 : i32
    return
  }
}

#map = affine_map<(d0, d1) -> (0, 0)>
#map1 = affine_map<(d0, d1) -> (0)>
module attributes {stable_mosaic.version = 14 : i64} {
  func.func @kern(%arg0: i32, %arg1: i32, %arg2: memref<1024x128xf32, #tpu.memory_space<hbm>>, %arg3: memref<26112xi32, #tpu.memory_space<hbm>>, %arg4: memref<26112x128xf32, #tpu.memory_space<hbm>>, %arg5: memref<816xi32, #tpu.memory_space<vmem>>, %arg6: memref<816x128xf32, #tpu.memory_space<vmem>>, %arg7: memref<!tpu.dma_semaphore, #tpu.memory_space<semaphore_mem>>) attributes {dimension_semantics = [#tpu.dimension_semantics<core_parallel>, #tpu.dimension_semantics<subcore_parallel>], iteration_bounds = array<i64: 2, 16>, scalar_prefetch = 0 : i64, scratch_operands = 3 : i64, tpu.core_type = #tpu.core_type<sc_vector_subcore>, window_params = [{transform_indices = #map}, {transform_indices = #map1}, {transform_indices = #map}]} {
    %mul3A = arith.constant 2 : i32
    %mul3A_0 = arith.muli %arg1, %mul3A : i32
    %add3A = arith.addi %mul3A_0, %arg0 : i32
    %mul3A_1 = arith.constant 816 : i32
    %mul3A_2 = arith.muli %add3A, %mul3A_1 : i32
    %scan3A = arith.constant 0 : i32
    %mul3A_3 = arith.constant 1 : i32
    %mul3A_4 = arith.muli %scan3A, %mul3A_3 : i32
    %add3A_5 = arith.constant 0 : i32
    %add3A_6 = arith.addi %add3A_5, %mul3A_4 : i32
    %mul3A_7 = arith.constant 816 : i32
    %mul3A_8 = arith.muli %add3A_6, %mul3A_7 : i32
    %add3A_9 = arith.addi %mul3A_2, %mul3A_8 : i32
    "tpu.region"() ({
      %run_scoped3A = tpu.sem_alloc : memref<!tpu.dma_semaphore, #tpu.memory_space<semaphore_mem>>
      %dma_start3A_15 = tpu.memref_slice %arg3[%add3A_9] : memref<26112xi32, #tpu.memory_space<hbm>> -> memref<816xi32, #tpu.memory_space<hbm>>
      %dma_start3A_16 = tpu.memref_slice %arg3[%add3A_9] : memref<26112xi32, #tpu.memory_space<hbm>> -> memref<816xi32, #tpu.memory_space<hbm>>
      tpu.enqueue_dma source(%dma_start3A_16 : memref<816xi32, #tpu.memory_space<hbm>>) target(%arg5 : memref<816xi32, #tpu.memory_space<vmem>>) target_semaphore(%run_scoped3A : memref<!tpu.dma_semaphore, #tpu.memory_space<semaphore_mem>>)
      %dma_wait3A_17 = tpu.memref_slice %arg3[%add3A_9] : memref<26112xi32, #tpu.memory_space<hbm>> -> memref<816xi32, #tpu.memory_space<hbm>>
      %dma_wait3A_18 = tpu.memref_slice %arg3[%add3A_9] : memref<26112xi32, #tpu.memory_space<hbm>> -> memref<816xi32, #tpu.memory_space<hbm>>
      tpu.wait_dma2 semaphore(%run_scoped3A : memref<!tpu.dma_semaphore, #tpu.memory_space<semaphore_mem>>) src(%dma_wait3A_18 : memref<816xi32, #tpu.memory_space<hbm>>) dst(%arg5 : memref<816xi32, #tpu.memory_space<vmem>>)
      tpu.yield
    }) : () -> ()
    %dma_start3A = arith.constant 0 : i32
    %dma_start3A_10 = arith.constant 0 : i32
    %dma_start3A_11 = tpu.memref_slice %arg2[%dma_start3A, %dma_start3A_10] : memref<1024x128xf32, #tpu.memory_space<hbm>> -> memref<1024x128xf32, #tpu.memory_space<hbm>>
    tpu.enqueue_indirect_dma source(%dma_start3A_11 : memref<1024x128xf32, #tpu.memory_space<hbm>>) target(%arg6 : memref<816x128xf32, #tpu.memory_space<vmem>>) offsets(%arg5 : memref<816xi32, #tpu.memory_space<vmem>>) semaphore(%arg7 : memref<!tpu.dma_semaphore, #tpu.memory_space<semaphore_mem>>)
    %dma_wait3A = arith.constant 0 : i32
    %dma_wait3A_12 = arith.constant 0 : i32
    %dma_wait3A_13 = tpu.memref_slice %arg2[%dma_wait3A, %dma_wait3A_12] : memref<1024x128xf32, #tpu.memory_space<hbm>> -> memref<1024x128xf32, #tpu.memory_space<hbm>>
    tpu.wait_indirect_dma semaphore(%arg7 : memref<!tpu.dma_semaphore, #tpu.memory_space<semaphore_mem>>) src(%dma_wait3A_13 : memref<1024x128xf32, #tpu.memory_space<hbm>>) dst(%arg6 : memref<816x128xf32, #tpu.memory_space<vmem>>)
    "tpu.region"() ({
      %run_scoped3A = tpu.sem_alloc : memref<!tpu.dma_semaphore, #tpu.memory_space<semaphore_mem>>
      %dma_start3A_15 = arith.constant 0 : i32
      %dma_start3A_16 = tpu.memref_slice %arg4[%add3A_9, %dma_start3A_15] : memref<26112x128xf32, #tpu.memory_space<hbm>> -> memref<816x128xf32, #tpu.memory_space<hbm>>
      %dma_start3A_17 = arith.constant 0 : i32
      %dma_start3A_18 = tpu.memref_slice %arg4[%add3A_9, %dma_start3A_17] : memref<26112x128xf32, #tpu.memory_space<hbm>> -> memref<816x128xf32, #tpu.memory_space<hbm>>
      tpu.enqueue_dma source(%arg6 : memref<816x128xf32, #tpu.memory_space<vmem>>) target(%dma_start3A_18 : memref<816x128xf32, #tpu.memory_space<hbm>>) target_semaphore(%run_scoped3A : memref<!tpu.dma_semaphore, #tpu.memory_space<semaphore_mem>>)
      %dma_wait3A_19 = arith.constant 0 : i32
      %dma_wait3A_20 = tpu.memref_slice %arg4[%add3A_9, %dma_wait3A_19] : memref<26112x128xf32, #tpu.memory_space<hbm>> -> memref<816x128xf32, #tpu.memory_space<hbm>>
      %dma_wait3A_21 = arith.constant 0 : i32
      %dma_wait3A_22 = tpu.memref_slice %arg4[%add3A_9, %dma_wait3A_21] : memref<26112x128xf32, #tpu.memory_space<hbm>> -> memref<816x128xf32, #tpu.memory_space<hbm>>
      tpu.wait_dma2 semaphore(%run_scoped3A : memref<!tpu.dma_semaphore, #tpu.memory_space<semaphore_mem>>) src(%arg6 : memref<816x128xf32, #tpu.memory_space<vmem>>) dst(%dma_wait3A_22 : memref<816x128xf32, #tpu.memory_space<hbm>>)
      tpu.yield
    }) : () -> ()
    %scan3A_14 = arith.constant 1 : i32
    return
  }
}

module attributes {stable_mosaic.version = 14 : i64} {
  func.func @_table_kernel(%arg0: memref<1024x512xf32, #tpu.memory_space<vmem>>, %arg1: memref<512x128xf32, #tpu.memory_space<vmem>>, %arg2: memref<1024x128xf32, #tpu.memory_space<vmem>>) attributes {dimension_semantics = [], scalar_prefetch = 0 : i64, scratch_operands = 0 : i64, tpu.core_type = #tpu.core_type<tc>} {
    %get3A = arith.constant 0 : index
    %get3A_0 = arith.constant 0 : index
    %get3A_1 = vector.load %arg0[%get3A, %get3A_0] : memref<1024x512xf32, #tpu.memory_space<vmem>>, vector<1024x512xf32>
    %get3A_2 = arith.constant 0 : index
    %get3A_3 = arith.constant 0 : index
    %get3A_4 = vector.load %arg1[%get3A_2, %get3A_3] : memref<512x128xf32, #tpu.memory_space<vmem>>, vector<512x128xf32>
    %dot_general3A = arith.constant dense<0.000000e+00> : vector<1024x128xf32>
    %dot_general3A_5 = tpu.matmul %get3A_1, %get3A_4, %dot_general3A {dimension_numbers = #tpu.dot_dimension_numbers<[1], [0], [0], [1], [0, 0, 1, 1], [], []>, transpose_lhs_hint = false} : vector<1024x512xf32>, vector<512x128xf32>, vector<1024x128xf32> -> vector<1024x128xf32>
    %swap3A = arith.constant 0 : index
    %swap3A_6 = arith.constant 0 : index
    %swap3A_7 = vector.load %arg2[%swap3A, %swap3A_6] : memref<1024x128xf32, #tpu.memory_space<vmem>>, vector<1024x128xf32>
    tpu.vector_store %arg2[%swap3A, %swap3A_6], %dot_general3A_5 {strides = array<i32>} : memref<1024x128xf32, #tpu.memory_space<vmem>>, vector<1024x128xf32>,
    return
  }
}

module attributes {stable_mosaic.version = 14 : i64} {
  func.func @_enc_vq_kernel(%arg0: i32, %arg1: memref<256x4xf32, #tpu.memory_space<vmem>>, %arg2: memref<2x64xf32, #tpu.memory_space<vmem>>, %arg3: memref<1x64xf32, #tpu.memory_space<vmem>>, %arg4: memref<128x64xf32, #tpu.memory_space<vmem>>, %arg5: memref<1x64xf32, #tpu.memory_space<vmem>>, %arg6: memref<64x512xf32, #tpu.memory_space<vmem>>, %arg7: memref<1x512xf32, #tpu.memory_space<vmem>>, %arg8: memref<512x1024xf32, #tpu.memory_space<vmem>>, %arg9: memref<256x1xi32, #tpu.memory_space<vmem>>, %arg10: memref<1x1xf32, #tpu.memory_space<vmem>>, %arg11: memref<1x1024xf32, #tpu.memory_space<vmem>>) attributes {dimension_semantics = [#tpu.dimension_semantics<arbitrary>], iteration_bounds = array<i64: 102>, scalar_prefetch = 0 : i64, scratch_operands = 1 : i64, tpu.core_type = #tpu.core_type<tc>, window_params = [{transform_indices = @transform_0, window_bounds = array<i64: 256, 4>}, {pipeline_mode = #tpu.pipeline_mode<synchronous>, transform_indices = @transform_1, window_bounds = array<i64: 2, 64>}, {pipeline_mode = #tpu.pipeline_mode<synchronous>, transform_indices = @transform_2, window_bounds = array<i64: 1, 64>}, {pipeline_mode = #tpu.pipeline_mode<synchronous>, transform_indices = @transform_3, window_bounds = array<i64: 128, 64>}, {pipeline_mode = #tpu.pipeline_mode<synchronous>, transform_indices = @transform_4, window_bounds = array<i64: 1, 64>}, {pipeline_mode = #tpu.pipeline_mode<synchronous>, transform_indices = @transform_5, window_bounds = array<i64: 64, 512>}, {pipeline_mode = #tpu.pipeline_mode<synchronous>, transform_indices = @transform_6, window_bounds = array<i64: 1, 512>}, {pipeline_mode = #tpu.pipeline_mode<synchronous>, transform_indices = @transform_7, window_bounds = array<i64: 512, 1024>}, {transform_indices = @transform_8, window_bounds = array<i64: 256, 1>}, {pipeline_mode = #tpu.pipeline_mode<synchronous>, transform_indices = @transform_9, window_bounds = array<i64: 1, 1>}]} {
    %eq3A = arith.constant 0 : i32
    %eq3A_0 = arith.cmpi eq, %arg0, %eq3A : i32
    %convert_element_type3A = arith.extui %eq3A_0 : i1 to i32
    %cond3A = arith.constant 0 : i32
    %cond3A_1 = arith.cmpi ne, %convert_element_type3A, %cond3A : i32
    scf.if %cond3A_1 {
      %get3A_98 = arith.constant 0 : index
      %get3A_99 = arith.constant 0 : index
      %get3A_100 = vector.load %arg8[%get3A_98, %get3A_99] : memref<512x1024xf32, #tpu.memory_space<vmem>>, vector<512x1024xf32>
      %mul3A_101 = arith.mulf %get3A_100, %get3A_100 : vector<512x1024xf32>
      %reduce_sum3A_102 = arith.constant dense<0.000000e+00> : vector<1024xf32>
      %reduce_sum3A_103 = vector.multi_reduction <add>, %mul3A_101, %reduce_sum3A_102 [0] : vector<512x1024xf32> to vector<1024xf32>
      %broadcast_in_dim3A_104 = vector.shape_cast %reduce_sum3A_103 : vector<1024xf32> to vector<1x1024xf32>
      %swap3A_105 = arith.constant 0 : index
      %swap3A_106 = arith.constant 0 : index
      %swap3A_107 = vector.load %arg11[%swap3A_105, %swap3A_106] : memref<1x1024xf32, #tpu.memory_space<vmem>>, vector<1x1024xf32>
      tpu.vector_store %arg11[%swap3A_105, %swap3A_106], %broadcast_in_dim3A_104 {strides = array<i32>} : memref<1x1024xf32, #tpu.memory_space<vmem>>, vector<1x1024xf32>,
      %broadcast_in_dim3A_108 = arith.constant 0.000000e+00 : f32
      %broadcast_in_dim3A_109 = vector.broadcast %broadcast_in_dim3A_108 : f32 to vector<1x1xf32>
      %swap3A_110 = arith.constant 0 : index
      %swap3A_111 = arith.constant 0 : index
      %swap3A_112 = vector.load %arg10[%swap3A_110, %swap3A_111] : memref<1x1xf32, #tpu.memory_space<vmem>>, vector<1x1xf32>
      tpu.vector_store %arg10[%swap3A_110, %swap3A_111], %broadcast_in_dim3A_109 {strides = array<i32>} : memref<1x1xf32, #tpu.memory_space<vmem>>, vector<1x1xf32>,
    } else {
    }
    %get3A = arith.constant 0 : index
    %get3A_2 = arith.constant 0 : index
    %get3A_3 = vector.load %arg1[%get3A, %get3A_2] : memref<256x4xf32, #tpu.memory_space<vmem>>, vector<256x4xf32>
    %get3A_4 = arith.constant 0 : index
    %get3A_5 = arith.constant 0 : index
    %get3A_6 = vector.load %arg2[%get3A_4, %get3A_5] : memref<2x64xf32, #tpu.memory_space<vmem>>, vector<2x64xf32>
    %get3A_7 = arith.constant 0 : index
    %get3A_8 = arith.constant 0 : index
    %get3A_9 = vector.load %arg3[%get3A_7, %get3A_8] : memref<1x64xf32, #tpu.memory_space<vmem>>, vector<1x64xf32>
    %slice3A = vector.extract_strided_slice %get3A_3 {offsets = [0, 0], sizes = [256, 1], strides = [1, 1]} : vector<256x4xf32> to vector<256x1xf32>
    %slice3A_10 = vector.extract_strided_slice %get3A_6 {offsets = [0, 0], sizes = [1, 64], strides = [1, 1]} : vector<2x64xf32> to vector<1x64xf32>
    %mul3A = vector.broadcast %slice3A : vector<256x1xf32> to vector<256x64xf32>
    %mul3A_11 = vector.broadcast %slice3A_10 : vector<1x64xf32> to vector<256x64xf32>
    %mul3A_12 = arith.mulf %mul3A, %mul3A_11 : vector<256x64xf32>
    %slice3A_13 = vector.extract_strided_slice %get3A_3 {offsets = [0, 1], sizes = [256, 1], strides = [1, 1]} : vector<256x4xf32> to vector<256x1xf32>
    %slice3A_14 = vector.extract_strided_slice %get3A_6 {offsets = [1, 0], sizes = [1, 64], strides = [1, 1]} : vector<2x64xf32> to vector<1x64xf32>
    %mul3A_15 = vector.broadcast %slice3A_13 : vector<256x1xf32> to vector<256x64xf32>
    %mul3A_16 = vector.broadcast %slice3A_14 : vector<1x64xf32> to vector<256x64xf32>
    %mul3A_17 = arith.mulf %mul3A_15, %mul3A_16 : vector<256x64xf32>
    %add3A = arith.addf %mul3A_12, %mul3A_17 : vector<256x64xf32>
    %add3A_18 = vector.broadcast %get3A_9 : vector<1x64xf32> to vector<256x64xf32>
    %add3A_19 = arith.addf %add3A, %add3A_18 : vector<256x64xf32>
    %max3A = arith.constant 0.000000e+00 : f32
    %max3A_20 = vector.broadcast %max3A : f32 to vector<256x64xf32>
    %max3A_21 = arith.maximumf %add3A_19, %max3A_20 : vector<256x64xf32>
    %slice3A_22 = vector.extract_strided_slice %get3A_3 {offsets = [0, 2], sizes = [256, 1], strides = [1, 1]} : vector<256x4xf32> to vector<256x1xf32>
    %slice3A_23 = vector.extract_strided_slice %get3A_6 {offsets = [0, 0], sizes = [1, 64], strides = [1, 1]} : vector<2x64xf32> to vector<1x64xf32>
    %mul3A_24 = vector.broadcast %slice3A_22 : vector<256x1xf32> to vector<256x64xf32>
    %mul3A_25 = vector.broadcast %slice3A_23 : vector<1x64xf32> to vector<256x64xf32>
    %mul3A_26 = arith.mulf %mul3A_24, %mul3A_25 : vector<256x64xf32>
    %slice3A_27 = vector.extract_strided_slice %get3A_3 {offsets = [0, 3], sizes = [256, 1], strides = [1, 1]} : vector<256x4xf32> to vector<256x1xf32>
    %slice3A_28 = vector.extract_strided_slice %get3A_6 {offsets = [1, 0], sizes = [1, 64], strides = [1, 1]} : vector<2x64xf32> to vector<1x64xf32>
    %mul3A_29 = vector.broadcast %slice3A_27 : vector<256x1xf32> to vector<256x64xf32>
    %mul3A_30 = vector.broadcast %slice3A_28 : vector<1x64xf32> to vector<256x64xf32>
    %mul3A_31 = arith.mulf %mul3A_29, %mul3A_30 : vector<256x64xf32>
    %add3A_32 = arith.addf %mul3A_26, %mul3A_31 : vector<256x64xf32>
    %add3A_33 = vector.broadcast %get3A_9 : vector<1x64xf32> to vector<256x64xf32>
    %add3A_34 = arith.addf %add3A_32, %add3A_33 : vector<256x64xf32>
    %max3A_35 = arith.constant 0.000000e+00 : f32
    %max3A_36 = vector.broadcast %max3A_35 : f32 to vector<256x64xf32>
    %max3A_37 = arith.maximumf %add3A_34, %max3A_36 : vector<256x64xf32>
    %concatenate3A = tpu.concatenate %max3A_21, %max3A_37 in 1 : vector<256x64xf32>, vector<256x64xf32> -> vector<256x128xf32>
    %get3A_38 = arith.constant 0 : index
    %get3A_39 = arith.constant 0 : index
    %get3A_40 = vector.load %arg4[%get3A_38, %get3A_39] : memref<128x64xf32, #tpu.memory_space<vmem>>, vector<128x64xf32>
    %dot_general3A = arith.constant dense<0.000000e+00> : vector<256x64xf32>
    %dot_general3A_41 = tpu.matmul %concatenate3A, %get3A_40, %dot_general3A {dimension_numbers = #tpu.dot_dimension_numbers<[1], [0], [0], [1], [0, 0, 1, 1], [], []>, transpose_lhs_hint = false} : vector<256x128xf32>, vector<128x64xf32>, vector<256x64xf32> -> vector<256x64xf32>
    %get3A_42 = arith.constant 0 : index
    %get3A_43 = arith.constant 0 : index
    %get3A_44 = vector.load %arg5[%get3A_42, %get3A_43] : memref<1x64xf32, #tpu.memory_space<vmem>>, vector<1x64xf32>
    %add3A_45 = vector.broadcast %get3A_44 : vector<1x64xf32> to vector<256x64xf32>
    %add3A_46 = arith.addf %dot_general3A_41, %add3A_45 : vector<256x64xf32>
    %max3A_47 = arith.constant 0.000000e+00 : f32
    %max3A_48 = vector.broadcast %max3A_47 : f32 to vector<256x64xf32>
    %max3A_49 = arith.maximumf %add3A_46, %max3A_48 : vector<256x64xf32>
    %get3A_50 = arith.constant 0 : index
    %get3A_51 = arith.constant 0 : index
    %get3A_52 = vector.load %arg6[%get3A_50, %get3A_51] : memref<64x512xf32, #tpu.memory_space<vmem>>, vector<64x512xf32>
    %dot_general3A_53 = arith.constant dense<0.000000e+00> : vector<256x512xf32>
    %dot_general3A_54 = tpu.matmul %max3A_49, %get3A_52, %dot_general3A_53 {dimension_numbers = #tpu.dot_dimension_numbers<[1], [0], [0], [1], [0, 0, 1, 1], [], []>, transpose_lhs_hint = false} : vector<256x64xf32>, vector<64x512xf32>, vector<256x512xf32> -> vector<256x512xf32>
    %get3A_55 = arith.constant 0 : index
    %get3A_56 = arith.constant 0 : index
    %get3A_57 = vector.load %arg7[%get3A_55, %get3A_56] : memref<1x512xf32, #tpu.memory_space<vmem>>, vector<1x512xf32>
    %add3A_58 = vector.broadcast %get3A_57 : vector<1x512xf32> to vector<256x512xf32>
    %add3A_59 = arith.addf %dot_general3A_54, %add3A_58 : vector<256x512xf32>
    %mul3A_60 = arith.mulf %add3A_59, %add3A_59 : vector<256x512xf32>
    %reduce_sum3A = arith.constant dense<0.000000e+00> : vector<256xf32>
    %reduce_sum3A_61 = vector.multi_reduction <add>, %mul3A_60, %reduce_sum3A [1] : vector<256x512xf32> to vector<256xf32>
    %broadcast_in_dim3A = vector.shape_cast %reduce_sum3A_61 : vector<256xf32> to vector<256x1xf32>
    %get3A_62 = arith.constant 0 : index
    %get3A_63 = arith.constant 0 : index
    %get3A_64 = vector.load %arg8[%get3A_62, %get3A_63] : memref<512x1024xf32, #tpu.memory_space<vmem>>, vector<512x1024xf32>
    %dot_general3A_65 = arith.constant dense<0.000000e+00> : vector<256x1024xf32>
    %dot_general3A_66 = tpu.matmul %add3A_59, %get3A_64, %dot_general3A_65 {dimension_numbers = #tpu.dot_dimension_numbers<[1], [0], [0], [1], [0, 0, 1, 1], [], []>, transpose_lhs_hint = false} : vector<256x512xf32>, vector<512x1024xf32>, vector<256x1024xf32> -> vector<256x1024xf32>
    %mul3A_67 = arith.constant 2.000000e+00 : f32
    %mul3A_68 = vector.broadcast %mul3A_67 : f32 to vector<256x1024xf32>
    %mul3A_69 = arith.mulf %mul3A_68, %dot_general3A_66 : vector<256x1024xf32>
    %sub3A = vector.broadcast %broadcast_in_dim3A : vector<256x1xf32> to vector<256x1024xf32>
    %sub3A_70 = arith.subf %sub3A, %mul3A_69 : vector<256x1024xf32>
    %get3A_71 = arith.constant 0 : index
    %get3A_72 = arith.constant 0 : index
    %get3A_73 = vector.load %arg11[%get3A_71, %get3A_72] : memref<1x1024xf32, #tpu.memory_space<vmem>>, vector<1x1024xf32>
    %add3A_74 = vector.broadcast %get3A_73 : vector<1x1024xf32> to vector<256x1024xf32>
    %add3A_75 = arith.addf %sub3A_70, %add3A_74 : vector<256x1024xf32>
    %reduce_min3A = arith.constant dense<0x7F800000> : vector<256xf32>
    %reduce_min3A_76 = vector.multi_reduction <minimumf>, %add3A_75, %reduce_min3A [1] : vector<256x1024xf32> to vector<256xf32>
    %broadcast_in_dim3A_77 = vector.shape_cast %reduce_min3A_76 : vector<256xf32> to vector<256x1xf32>
    %iota3A = tpu.iota {dimensions = array<i32: 1>} : vector<256x1024xi32>
    %eq3A_78 = vector.broadcast %broadcast_in_dim3A_77 : vector<256x1xf32> to vector<256x1024xf32>
    %eq3A_79 = arith.cmpf oeq, %add3A_75, %eq3A_78 : vector<256x1024xf32>
    %jit3A = arith.constant 1024 : i32
    %broadcast_in_dim3A_80 = vector.broadcast %jit3A : i32 to vector<256x1024xi32>
    %select_n3A = arith.select %eq3A_79, %iota3A, %broadcast_in_dim3A_80 : vector<256x1024xi1>, vector<256x1024xi32>
    %reduce_min3A_81 = arith.constant dense<2147483647> : vector<256xi32>
    %reduce_min3A_82 = vector.multi_reduction <minsi>, %select_n3A, %reduce_min3A_81 [1] : vector<256x1024xi32> to vector<256xi32>
    %broadcast_in_dim3A_83 = vector.shape_cast %reduce_min3A_82 : vector<256xi32> to vector<256x1xi32>
    %swap3A = arith.constant 0 : index
    %swap3A_84 = arith.constant 0 : index
    %swap3A_85 = vector.load %arg9[%swap3A, %swap3A_84] : memref<256x1xi32, #tpu.memory_space<vmem>>, vector<256x1xi32>
    tpu.vector_store %arg9[%swap3A, %swap3A_84], %broadcast_in_dim3A_83 {strides = array<i32>} : memref<256x1xi32, #tpu.memory_space<vmem>>, vector<256x1xi32>,
    %get3A_86 = arith.constant 0 : index
    %get3A_87 = arith.constant 0 : index
    %get3A_88 = vector.load %arg10[%get3A_86, %get3A_87] : memref<1x1xf32, #tpu.memory_space<vmem>>, vector<1x1xf32>
    %reduce_sum3A_89 = vector.shape_cast %broadcast_in_dim3A_77 : vector<256x1xf32> to vector<1x256x1xf32>
    %reduce_sum3A_90 = arith.constant dense<0.000000e+00> : vector<1xf32>
    %reduce_sum3A_91 = vector.multi_reduction <add>, %reduce_sum3A_89, %reduce_sum3A_90 [1, 2] : vector<1x256x1xf32> to vector<1xf32>
    %reduce_sum3A_92 = vector.shape_cast %reduce_sum3A_91 : vector<1xf32> to vector<1x1x1xf32>
    %reduce_sum3A_93 = vector.extract %reduce_sum3A_92[0, 0, 0] : f32 from vector<1x1x1xf32>
    %reshape3A = vector.broadcast %reduce_sum3A_93 : f32 to vector<1x1xf32>
    %add3A_94 = arith.addf %get3A_88, %reshape3A : vector<1x1xf32>
    %swap3A_95 = arith.constant 0 : index
    %swap3A_96 = arith.constant 0 : index
    %swap3A_97 = vector.load %arg10[%swap3A_95, %swap3A_96] : memref<1x1xf32, #tpu.memory_space<vmem>>, vector<1x1xf32>
    tpu.vector_store %arg10[%swap3A_95, %swap3A_96], %add3A_94 {strides = array<i32>} : memref<1x1xf32, #tpu.memory_space<vmem>>, vector<1x1xf32>,
    return
  }
  func.func @transform_0(%arg0: i32) -> (i32, i32) {
    %c0_i32 = arith.constant 0 : i32
    %c0_i32_0 = arith.constant 0 : i32
    return %arg0, %c0_i32 : i32, i32
  }
  func.func @transform_1(%arg0: i32) -> (i32, i32) {
    %c0_i32 = arith.constant 0 : i32
    %c0_i32_0 = arith.constant 0 : i32
    %c0_i32_1 = arith.constant 0 : i32
    return %c0_i32, %c0_i32_0 : i32, i32
  }
  func.func @transform_2(%arg0: i32) -> (i32, i32) {
    %c0_i32 = arith.constant 0 : i32
    %c0_i32_0 = arith.constant 0 : i32
    %c0_i32_1 = arith.constant 0 : i32
    return %c0_i32, %c0_i32_0 : i32, i32
  }
  func.func @transform_3(%arg0: i32) -> (i32, i32) {
    %c0_i32 = arith.constant 0 : i32
    %c0_i32_0 = arith.constant 0 : i32
    %c0_i32_1 = arith.constant 0 : i32
    return %c0_i32, %c0_i32_0 : i32, i32
  }
  func.func @transform_4(%arg0: i32) -> (i32, i32) {
    %c0_i32 = arith.constant 0 : i32
    %c0_i32_0 = arith.constant 0 : i32
    %c0_i32_1 = arith.constant 0 : i32
    return %c0_i32, %c0_i32_0 : i32, i32
  }
  func.func @transform_5(%arg0: i32) -> (i32, i32) {
    %c0_i32 = arith.constant 0 : i32
    %c0_i32_0 = arith.constant 0 : i32
    %c0_i32_1 = arith.constant 0 : i32
    return %c0_i32, %c0_i32_0 : i32, i32
  }
  func.func @transform_6(%arg0: i32) -> (i32, i32) {
    %c0_i32 = arith.constant 0 : i32
    %c0_i32_0 = arith.constant 0 : i32
    %c0_i32_1 = arith.constant 0 : i32
    return %c0_i32, %c0_i32_0 : i32, i32
  }
  func.func @transform_7(%arg0: i32) -> (i32, i32) {
    %c0_i32 = arith.constant 0 : i32
    %c0_i32_0 = arith.constant 0 : i32
    %c0_i32_1 = arith.constant 0 : i32
    return %c0_i32, %c0_i32_0 : i32, i32
  }
  func.func @transform_8(%arg0: i32) -> (i32, i32) {
    %c0_i32 = arith.constant 0 : i32
    %c0_i32_0 = arith.constant 0 : i32
    return %arg0, %c0_i32 : i32, i32
  }
  func.func @transform_9(%arg0: i32) -> (i32, i32) {
    %c0_i32 = arith.constant 0 : i32
    %c0_i32_0 = arith.constant 0 : i32
    %c0_i32_1 = arith.constant 0 : i32
    return %c0_i32, %c0_i32_0 : i32, i32
  }
}

module attributes {stable_mosaic.version = 14 : i64} {
  func.func @_dec_kernel(%arg0: i32, %arg1: memref<512x128xf32, #tpu.memory_space<vmem>>, %arg2: memref<512x4xf32, #tpu.memory_space<vmem>>, %arg3: memref<1x128xf32, #tpu.memory_space<vmem>>, %arg4: memref<128x256xf32, #tpu.memory_space<vmem>>, %arg5: memref<1x256xf32, #tpu.memory_space<vmem>>, %arg6: memref<256x4xf32, #tpu.memory_space<vmem>>, %arg7: memref<1x1xf32, #tpu.memory_space<vmem>>, %arg8: memref<512x4xf32, #tpu.memory_space<vmem>>, %arg9: memref<1x1xf32, #tpu.memory_space<vmem>>) attributes {dimension_semantics = [#tpu.dimension_semantics<arbitrary>], iteration_bounds = array<i64: 51>, scalar_prefetch = 0 : i64, scratch_operands = 0 : i64, tpu.core_type = #tpu.core_type<tc>, window_params = [{transform_indices = @transform_0, window_bounds = array<i64: 512, 128>}, {transform_indices = @transform_1, window_bounds = array<i64: 512, 4>}, {pipeline_mode = #tpu.pipeline_mode<synchronous>, transform_indices = @transform_2, window_bounds = array<i64: 1, 128>}, {pipeline_mode = #tpu.pipeline_mode<synchronous>, transform_indices = @transform_3, window_bounds = array<i64: 128, 256>}, {pipeline_mode = #tpu.pipeline_mode<synchronous>, transform_indices = @transform_4, window_bounds = array<i64: 1, 256>}, {pipeline_mode = #tpu.pipeline_mode<synchronous>, transform_indices = @transform_5, window_bounds = array<i64: 256, 4>}, {pipeline_mode = #tpu.pipeline_mode<synchronous>, transform_indices = @transform_6, window_bounds = array<i64: 1, 1>}, {transform_indices = @transform_7, window_bounds = array<i64: 512, 4>}, {pipeline_mode = #tpu.pipeline_mode<synchronous>, transform_indices = @transform_8, window_bounds = array<i64: 1, 1>}]} {
    %eq3A = arith.constant 0 : i32
    %eq3A_0 = arith.cmpi eq, %arg0, %eq3A : i32
    %convert_element_type3A = arith.extui %eq3A_0 : i1 to i32
    %cond3A = arith.constant 0 : i32
    %cond3A_1 = arith.cmpi ne, %convert_element_type3A, %cond3A : i32
    scf.if %cond3A_1 {
      %broadcast_in_dim3A = arith.constant 0.000000e+00 : f32
      %broadcast_in_dim3A_48 = vector.broadcast %broadcast_in_dim3A : f32 to vector<1x1xf32>
      %swap3A_49 = arith.constant 0 : index
      %swap3A_50 = arith.constant 0 : index
      %swap3A_51 = vector.load %arg9[%swap3A_49, %swap3A_50] : memref<1x1xf32, #tpu.memory_space<vmem>>, vector<1x1xf32>
      tpu.vector_store %arg9[%swap3A_49, %swap3A_50], %broadcast_in_dim3A_48 {strides = array<i32>} : memref<1x1xf32, #tpu.memory_space<vmem>>, vector<1x1xf32>,
    } else {
    }
    %get3A = arith.constant 0 : index
    %get3A_2 = arith.constant 0 : index
    %get3A_3 = vector.load %arg1[%get3A, %get3A_2] : memref<512x128xf32, #tpu.memory_space<vmem>>, vector<512x128xf32>
    %get3A_4 = arith.constant 0 : index
    %get3A_5 = arith.constant 0 : index
    %get3A_6 = vector.load %arg3[%get3A_4, %get3A_5] : memref<1x128xf32, #tpu.memory_space<vmem>>, vector<1x128xf32>
    %add3A = vector.broadcast %get3A_6 : vector<1x128xf32> to vector<512x128xf32>
    %add3A_7 = arith.addf %get3A_3, %add3A : vector<512x128xf32>
    %max3A = arith.constant 0.000000e+00 : f32
    %max3A_8 = vector.broadcast %max3A : f32 to vector<512x128xf32>
    %max3A_9 = arith.maximumf %add3A_7, %max3A_8 : vector<512x128xf32>
    %get3A_10 = arith.constant 0 : index
    %get3A_11 = arith.constant 0 : index
    %get3A_12 = vector.load %arg4[%get3A_10, %get3A_11] : memref<128x256xf32, #tpu.memory_space<vmem>>, vector<128x256xf32>
    %dot_general3A = arith.constant dense<0.000000e+00> : vector<512x256xf32>
    %dot_general3A_13 = tpu.matmul %max3A_9, %get3A_12, %dot_general3A {dimension_numbers = #tpu.dot_dimension_numbers<[1], [0], [0], [1], [0, 0, 1, 1], [], []>, transpose_lhs_hint = false} : vector<512x128xf32>, vector<128x256xf32>, vector<512x256xf32> -> vector<512x256xf32>
    %get3A_14 = arith.constant 0 : index
    %get3A_15 = arith.constant 0 : index
    %get3A_16 = vector.load %arg5[%get3A_14, %get3A_15] : memref<1x256xf32, #tpu.memory_space<vmem>>, vector<1x256xf32>
    %add3A_17 = vector.broadcast %get3A_16 : vector<1x256xf32> to vector<512x256xf32>
    %add3A_18 = arith.addf %dot_general3A_13, %add3A_17 : vector<512x256xf32>
    %max3A_19 = arith.constant 0.000000e+00 : f32
    %max3A_20 = vector.broadcast %max3A_19 : f32 to vector<512x256xf32>
    %max3A_21 = arith.maximumf %add3A_18, %max3A_20 : vector<512x256xf32>
    %get3A_22 = arith.constant 0 : index
    %get3A_23 = arith.constant 0 : index
    %get3A_24 = vector.load %arg6[%get3A_22, %get3A_23] : memref<256x4xf32, #tpu.memory_space<vmem>>, vector<256x4xf32>
    %dot_general3A_25 = arith.constant dense<0.000000e+00> : vector<512x4xf32>
    %dot_general3A_26 = tpu.matmul %max3A_21, %get3A_24, %dot_general3A_25 {dimension_numbers = #tpu.dot_dimension_numbers<[1], [0], [0], [1], [0, 0, 1, 1], [], []>, transpose_lhs_hint = false} : vector<512x256xf32>, vector<256x4xf32>, vector<512x4xf32> -> vector<512x4xf32>
    %get3A_27 = arith.constant 0 : index
    %get3A_28 = arith.constant 0 : index
    %get3A_29 = vector.load %arg7[%get3A_27, %get3A_28] : memref<1x1xf32, #tpu.memory_space<vmem>>, vector<1x1xf32>
    %add3A_30 = vector.broadcast %get3A_29 : vector<1x1xf32> to vector<512x4xf32>
    %add3A_31 = arith.addf %dot_general3A_26, %add3A_30 : vector<512x4xf32>
    %swap3A = arith.constant 0 : index
    %swap3A_32 = arith.constant 0 : index
    %swap3A_33 = vector.load %arg8[%swap3A, %swap3A_32] : memref<512x4xf32, #tpu.memory_space<vmem>>, vector<512x4xf32>
    tpu.vector_store %arg8[%swap3A, %swap3A_32], %add3A_31 {strides = array<i32>} : memref<512x4xf32, #tpu.memory_space<vmem>>, vector<512x4xf32>,
    %get3A_34 = arith.constant 0 : index
    %get3A_35 = arith.constant 0 : index
    %get3A_36 = vector.load %arg2[%get3A_34, %get3A_35] : memref<512x4xf32, #tpu.memory_space<vmem>>, vector<512x4xf32>
    %sub3A = arith.subf %get3A_36, %add3A_31 : vector<512x4xf32>
    %get3A_37 = arith.constant 0 : index
    %get3A_38 = arith.constant 0 : index
    %get3A_39 = vector.load %arg9[%get3A_37, %get3A_38] : memref<1x1xf32, #tpu.memory_space<vmem>>, vector<1x1xf32>
    %mul3A = arith.mulf %sub3A, %sub3A : vector<512x4xf32>
    %reduce_sum3A = vector.shape_cast %mul3A : vector<512x4xf32> to vector<1x512x4xf32>
    %reduce_sum3A_40 = arith.constant dense<0.000000e+00> : vector<1xf32>
    %reduce_sum3A_41 = vector.multi_reduction <add>, %reduce_sum3A, %reduce_sum3A_40 [1, 2] : vector<1x512x4xf32> to vector<1xf32>
    %reduce_sum3A_42 = vector.shape_cast %reduce_sum3A_41 : vector<1xf32> to vector<1x1x1xf32>
    %reduce_sum3A_43 = vector.extract %reduce_sum3A_42[0, 0, 0] : f32 from vector<1x1x1xf32>
    %reshape3A = vector.broadcast %reduce_sum3A_43 : f32 to vector<1x1xf32>
    %add3A_44 = arith.addf %get3A_39, %reshape3A : vector<1x1xf32>
    %swap3A_45 = arith.constant 0 : index
    %swap3A_46 = arith.constant 0 : index
    %swap3A_47 = vector.load %arg9[%swap3A_45, %swap3A_46] : memref<1x1xf32, #tpu.memory_space<vmem>>, vector<1x1xf32>
    tpu.vector_store %arg9[%swap3A_45, %swap3A_46], %add3A_44 {strides = array<i32>} : memref<1x1xf32, #tpu.memory_space<vmem>>, vector<1x1xf32>,
    return
  }
  func.func @transform_0(%arg0: i32) -> (i32, i32) {
    %c0_i32 = arith.constant 0 : i32
    %c0_i32_0 = arith.constant 0 : i32
    return %arg0, %c0_i32 : i32, i32
  }
  func.func @transform_1(%arg0: i32) -> (i32, i32) {
    %c0_i32 = arith.constant 0 : i32
    %c0_i32_0 = arith.constant 0 : i32
    return %arg0, %c0_i32 : i32, i32
  }
  func.func @transform_2(%arg0: i32) -> (i32, i32) {
    %c0_i32 = arith.constant 0 : i32
    %c0_i32_0 = arith.constant 0 : i32
    %c0_i32_1 = arith.constant 0 : i32
    return %c0_i32, %c0_i32_0 : i32, i32
  }
  func.func @transform_3(%arg0: i32) -> (i32, i32) {
    %c0_i32 = arith.constant 0 : i32
    %c0_i32_0 = arith.constant 0 : i32
    %c0_i32_1 = arith.constant 0 : i32
    return %c0_i32, %c0_i32_0 : i32, i32
  }
  func.func @transform_4(%arg0: i32) -> (i32, i32) {
    %c0_i32 = arith.constant 0 : i32
    %c0_i32_0 = arith.constant 0 : i32
    %c0_i32_1 = arith.constant 0 : i32
    return %c0_i32, %c0_i32_0 : i32, i32
  }
  func.func @transform_5(%arg0: i32) -> (i32, i32) {
    %c0_i32 = arith.constant 0 : i32
    %c0_i32_0 = arith.constant 0 : i32
    %c0_i32_1 = arith.constant 0 : i32
    return %c0_i32, %c0_i32_0 : i32, i32
  }
  func.func @transform_6(%arg0: i32) -> (i32, i32) {
    %c0_i32 = arith.constant 0 : i32
    %c0_i32_0 = arith.constant 0 : i32
    %c0_i32_1 = arith.constant 0 : i32
    return %c0_i32, %c0_i32_0 : i32, i32
  }
  func.func @transform_7(%arg0: i32) -> (i32, i32) {
    %c0_i32 = arith.constant 0 : i32
    %c0_i32_0 = arith.constant 0 : i32
    return %arg0, %c0_i32 : i32, i32
  }
  func.func @transform_8(%arg0: i32) -> (i32, i32) {
    %c0_i32 = arith.constant 0 : i32
    %c0_i32_0 = arith.constant 0 : i32
    %c0_i32_1 = arith.constant 0 : i32
    return %c0_i32, %c0_i32_0 : i32, i32
  }
}

</mosaic_0001>

<sc_bundles>
// kernel: kernel.10.cloned.1.call-start
scs
__scs_entry_jumppad:
0x0: {  	(pc) =	sbr.rel $0x88, $3  }
0x1: {  	(tag) =	ssettag $0x0;
	lr =	simm.s32 $0x1  }
0x2: {  	[smem:$0x3F93] =	sst lr;
	_ =	strace $0xD0000000  }
0x3: {  	_ = 	snop  }
0x4: {  	_ = 	snop  }
0x5: {  	_ = 	snop  }
0x6: {  	_ = 	snop  }
0x7: {  	_ = 	snop  }
__scs_overlays_trampoline_lowered:
0x8: {  	[smem:$0x3FA2] =	sst s0  }
0x9: {  	[smem:$0x3FA3] =	sst s1  }
0xa: {  	[smem:$0x3FA4] =	sst s2  }
0xb: {  	[smem:$0x3FA5] =	sst s3  }
0xc: {  	[smem:$0x3FA6] =	sst s4  }
0xd: {  	[smem:$0x3FA7] =	sst s5  }
0xe: {  	[smem:$0x3FA8] =	sst s6  }
0xf: {  	[smem:$0x3FA9] =	sst s7  }
0x10: {  	[smem:$0x3FAA] =	sst s8  }
0x11: {  	[smem:$0x3FAB] =	sst s9;
	s0 =	simm.s32 @!p0 $0x0  }
0x12: {  	s1 =	sld [smem:$0x3F91];
	s0 =	simm.s32 @p0 $0x1  }
0x13: {  	[smem:$0x3FAC] =	sst s0;
	s0 =	simm.s32 @!p1 $0x0  }
0x14: {  	s2 =	sld [smem:$0x3F90];
	s0 =	simm.s32 @p1 $0x1  }
0x15: {  	[smem:$0x3FAD] =	sst s0;
	s0 =	simm.s32 @!p2 $0x0  }
0x16: {  	s3 =	sld [smem:$0x3FDB];
	s0 =	simm.s32 @p2 $0x1  }
0x17: {  	s4 =	simm.s32 $0x1BF5;
	[smem:$0x3FAF] =	sst s0  }
0x18: {  	s0 =	sld [smem:$0x3F92];
	_ =	swait.ge [sflag:s4], $0x0  }
0x19: {  	s7 =	sld [smem:$0x3F93]  }
0x1a: {  	s8 =	sadd.s32 $0xFFFFE003, lr  }
0x1b: {  	s9 =	sadd.s32 $0xFFFFFEF7, lr;
	s5 =	simm.s32 $0xFFFFFFFF;
	p2 =	slt.u32 s8, $0xFFFFF086  }
0x1c: {  	p1 =	slt.u32 s9, $0xF7A;
	s5 =	simm.s32 @!p2 $0x0  }
0x1d: {  	s5 =	simm.s32 @p1 $0x1;
	p0 =	seq.s32 s7, s2  }
0x1e: {  	s7 =	smul.u32 @!p0 $0xF7A, s2;
	p2 =	seq.s32 @!p0 s5, $0x0  }
0x1f: {  	s9 =	smul.u32 $0xF7A, s1;
	s8 =	simm.s32 @!p0 $0x1BF5;
	p2 =	por !p2, p0  }
0x20: {  	[sflag:s8] =	ssyncset.s32 @!p0 $0xFFFFF086;
	s6 =	sadd.s32 @!p0 s3, s7;
	s7 =	simm.s32 @!p0 $0x108  }
0x21: {  	s3 =	sadd.s32 s3, s9;
	s6 =	sadd.s32 @!p0 $0x88, s6;
	s7 =	simm.s32 @p2 $0x1082  }
0x22: {  	[simem:s7], [sflag:s8] =	dma.local @!p0 [hbm:s6], $0xF7A  }
0x23: {  	s9 =	sor.u32 $0xD0000000, s2;
	s6 =	simm.s32 $0x108;
	_ =	swait.ge @!p0 [sflag:s8], $0x0  }
0x24: {  	s3 =	sadd.s32 $0x88, s3;
	s6 =	simm.s32 @!p1 $0x1082;
	[sflag:s4] =	ssyncset.s32 $0xFFFFF086  }
0x25: {  	[simem:s6], [sflag:s4] =	dma.local [hbm:s3], $0xF7A  }
0x26: {  	[smem:$0x3F93] =	sst s1;
	(tag) =	ssettag s2;
	_ =	strace s9  }
0x27: {  	s1 =	sld [smem:$0x3FA3]  }
0x28: {  	s2 =	sld [smem:$0x3FA4]  }
0x29: {  	s4 =	sld [smem:$0x3FA6]  }
0x2a: {  	p0 =	seq.s32 s5, $0x0;
	s5 =	sld [smem:$0x3FA7]  }
0x2b: {  	s6 =	sld [smem:$0x3FA8]  }
0x2c: {  	s7 =	sld [smem:$0x3FA9]  }
0x2d: {  	s3 =	simm.s32 $0x108;
	s8 =	sld [smem:$0x3FAA]  }
0x2e: {  	s3 =	simm.s32 @!p0 $0x1082;
	s9 =	sld [smem:$0x3FAB]  }
0x2f: {  	lr =	sadd.s32 s0, s3;
	s0 =	sld [smem:$0x3FA2]  }
0x30: {  	s3 =	sld [smem:$0x3FA5]  }
0x31: {  	[smem:$0x3FAE] =	sst s10  }
0x32: {  	s10 =	sld [smem:$0x3FAC];
	_ =	sdelay $0x3  }
0x33: {  	p0 =	seq.s32 s10, $0x1;
	s10 =	sld [smem:$0x3FAE];
	_ =	sdelay $0x3  }
0x34: {  	[smem:$0x3FAE] =	sst s10  }
0x35: {  	s10 =	sld [smem:$0x3FAD];
	_ =	sdelay $0x3  }
0x36: {  	p1 =	seq.s32 s10, $0x1;
	s10 =	sld [smem:$0x3FAE];
	_ =	sdelay $0x3  }
0x37: {  	[smem:$0x3FAE] =	sst s10  }
0x38: {  	s10 =	sld [smem:$0x3FAF]  }
0x39: {  	_ = 	snop;
	(pc) =	sbr.ind lr, $3  }
0x3a: {  	_ = 	snop  }
0x3b: {  	_ = 	snop  }
0x3c: {  	p2 =	seq.s32 s10, $0x1;
	s10 =	sld [smem:$0x3FAE]  }
0x3d: {  	_ =	shalt  }
0x3e: {  	_ =	shalt  }
0x3f: {  	_ =	shalt  }
0x40: {  	_ =	shalt  }
0x41: {  	_ =	shalt  }
0x42: {  	_ =	shalt  }
0x43: {  	_ =	shalt  }
0x44: {  	_ =	shalt  }
0x45: {  	_ =	shalt  }
0x46: {  	_ =	shalt  }
0x47: {  	_ =	shalt  }
0x48: {  	_ =	shalt  }
0x49: {  	_ =	shalt  }
0x4a: {  	_ =	shalt  }
0x4b: {  	_ =	shalt  }
0x4c: {  	_ =	shalt  }
0x4d: {  	_ =	shalt  }
0x4e: {  	_ =	shalt  }
0x4f: {  	_ =	shalt  }
0x50: {  	_ =	shalt  }
0x51: {  	_ =	shalt  }
0x52: {  	_ =	shalt  }
0x53: {  	_ =	shalt  }
0x54: {  	_ =	shalt  }
0x55: {  	_ =	shalt  }
0x56: {  	_ =	shalt  }
0x57: {  	_ =	shalt  }
0x58: {  	_ =	shalt  }
0x59: {  	_ =	shalt  }
0x5a: {  	_ =	shalt  }
0x5b: {  	_ =	shalt  }
0x5c: {  	_ =	shalt  }
0x5d: {  	_ =	shalt  }
0x5e: {  	_ =	shalt  }
0x5f: {  	_ =	shalt  }
0x60: {  	_ =	shalt  }
0x61: {  	_ =	shalt  }
0x62: {  	_ =	shalt  }
0x63: {  	_ =	shalt  }
0x64: {  	_ =	shalt  }
0x65: {  	_ =	shalt  }
0x66: {  	_ =	shalt  }
0x67: {  	_ =	shalt  }
0x68: {  	_ =	shalt  }
0x69: {  	_ =	shalt  }
0x6a: {  	_ =	shalt  }
0x6b: {  	_ =	shalt  }
0x6c: {  	_ =	shalt  }
0x6d: {  	_ =	shalt  }
0x6e: {  	_ =	shalt  }
0x6f: {  	_ =	shalt  }
0x70: {  	_ =	shalt  }
0x71: {  	_ =	shalt  }
0x72: {  	_ =	shalt  }
0x73: {  	_ =	shalt  }
0x74: {  	_ =	shalt  }
0x75: {  	_ =	shalt  }
0x76: {  	_ =	shalt  }
0x77: {  	_ =	shalt  }
0x78: {  	_ =	shalt  }
0x79: {  	_ =	shalt  }
0x7a: {  	_ =	shalt  }
0x7b: {  	_ =	shalt  }
0x7c: {  	_ =	shalt  }
0x7d: {  	_ =	shalt  }
0x7e: {  	_ =	shalt  }
0x7f: {  	_ =	shalt  }
0x80: {  	_ =	shalt  }
0x81: {  	_ =	shalt  }
0x82: {  	_ =	shalt  }
0x83: {  	_ =	shalt  }
0x84: {  	_ =	shalt  }
0x85: {  	_ =	shalt  }
0x86: {  	_ =	shalt  }
0x87: {  	_ =	shalt  }
.Lfunc_end0:
.L_simem_size_0:
called_computation.1_lowered:
.L_overlay_start_0:
0x88: {  	s2 =	sld [smem:$0x3FD9]  }
0x89: {  	s3 =	sld [smem:$0x3FFE];
	_ =	sdelay $0x1  }
0x8a: {  	s1 =	srdreg.scid  }
0x8b: {  	s0 =	sand.u32 $0x1, s1  }
0x8c: {  	s15 =	sshll.u32 s0, $0xA;
	s2 =	sadd.s32 s3, s2  }
0x8d: {  	s2 =	sadd.s32 s2, s15  }
0x8e: {  	[smem:$0x3FBA] =	sst s2  }
0x8f: {  	_ = 	snop  }
0x90: {  	s16 =	sld [smem:$0x3FD0];
	_ =	sdelay $0x2  }
0x91: {  	s4 =	simm.s32 $0xB;
	s5 =	simm.s32 $0x10;
	s2 =	sld [smem:$0x3FC2]  }
0x92: {  	[smem:s5], [sflag:s4] =	dma.local [hbm:s16], $0x1  }
0x93: {  	_ =	swait.eq [sflag:s4], $0x1  }
0x94: {  	[sflag:s4] =	ssyncset.done $0x0  }
0x95: {  	[sflag:s4] =	ssyncadd.s32 $0xFFFFFFFF  }
0x96: {  	s17 =	sld [smem:$0x14];
	(tm) =	ssettm $0x1  }
0x97: {  	s18 =	sld [smem:$0x3FFB];
	_ =	sdelay $0x3  }
0x98: {  	_ =	strace s18  }
0x99: {  	s3 =	sld [smem:$0x3FFC];
	_ =	sdelay $0x3  }
0x9a: {  	_ =	strace s3  }
0x9b: {  	s3 =	sld [smem:$0x3FFD];
	_ =	sdelay $0x3  }
0x9c: {  	_ =	strace s3  }
0x9d: {  	_ =	strace $0x8FFFFFFF  }
0x9e: {  	s19 =	sld [smem:$0x3FDB];
	_ =	sdelay $0x1  }
0x9f: {  	s20 =	simm.s32 $_scs_section_size  }
0xa0: {  	s6 =	simm.s32 $_size__tile_overlayer_lowered;
	s7 =	simm.s32 $_tile_overlayer_lowered  }
0xa1: {  	s8 =	simm.s32 $0x1BFF;
	s21 =	sshll.u32 s7, $0x1;
	s5 =	sadd.s32 s20, s19  }
0xa2: {  	s22 =	simm.s32 $0x0;
	s6 =	sshll.u32 s6, $0x1;
	s7 =	sadd.s32 s21, s5  }
0xa3: {  	[timem:s22], [sflag:s8] =	dma.local [hbm:s7], s6  }
0xa4: {  	_ =	swait.ge [sflag:s8], s6  }
0xa5: {  	s6 =	ssub.s32 $0x0, s6;
	[sflag:s8] =	ssyncset.done $0x0  }
0xa6: {  	[sflag:s8] =	ssyncadd.s32 s6;
	_ =	sdelay $0x1  }
0xa7: {  	s23 =	simm.s32 $0x1B8B  }
0xa8: {  	_ =	swait.ge [sflag:s23], $0x1  }
0xa9: {  	[sflag:s23] =	ssyncset.done $0x0  }
0xaa: {  	[sflag:s23] =	ssyncadd.s32 $0xFFFFFFFF  }
0xab: {  	s6 =	sld [smem:$0x0]  }
0xac: {  	s7 =	sand.u32 $0xFFFFFFFE, s1  }
0xad: {  	p0 =	sne.s32 s1, s7  }
0xae: {  	s7 =	sshll.u32 @p0 s7, $0xE  }
0xaf: {  	s7 =	sadd.s32 @p0 $0x11B8D, s7;
	s8 =	sshll.u32 @p0 s6, $0x11  }
0xb0: {  	s7 =	sor.u32 @p0 s8, s7  }
0xb1: {  	[sflag:s7] =	ssyncadd.remote.s32 @p0 $0x1;
	_ =	sdelay $0x1  }
0xb2: {  	s7 =	simm.s32 @p0 $0x1B8D  }
0xb3: {  	_ =	swait.eq @p0 [sflag:s7], $0x1  }
0xb4: {  	[sflag:s7] =	ssyncadd.s32 @p0 $0xFFFFFFFF  }
0xb5: {  	s8 =	sshll.u32 @!p0 s1, $0xE  }
0xb6: {  	s8 =	sor.u32 @!p0 $0x4000, s8;
	s7 =	simm.s32 @!p0 $0x1B8D  }
0xb7: {  	s6 =	sshll.u32 @!p0 s6, $0x11;
	s8 =	sadd.s32 @!p0 $0x11B8D, s8;
	_ =	swait.eq @!p0 [sflag:s7], $0x1  }
0xb8: {  	s6 =	sor.u32 @!p0 s6, s8;
	[sflag:s7] =	ssyncadd.s32 @!p0 $0xFFFFFFFF  }
0xb9: {  	s25 =	simm.s32 $0x1B8E;
	s24 =	sld [smem:$0x3FFE];
	[sflag:s6] =	ssyncadd.remote.s32 @!p0 $0x1  }
0xba: {  	s26 =	simm.s32 $execute0_lowered;
	[smem:$0x3FD2] =	sst s25  }
0xbb: {  	s7 =	sshll.u32 s26, $0x1;
	_ =	strace $0x80000049;
	[dreg:$0x1] =	wrdreg $0xFFFFFFFF  }
0xbc: {  	s28 =	simm.s32 $_size_execute0_lowered;
	s5 =	sadd.s32 s5, s7;
	[dreg:$0x0] =	wrdreg $0x0  }
0xbd: {  	s7 =	sshll.u32 s28, $0x1;
	[dreg:$0x2] =	wrdreg s5  }
0xbe: {  	[dreg:$0x3] =	wrdreg s7  }
0xbf: {  	[dreg:$0x4] =	wrdreg $0xC0  }
0xc0: {  	_ =	task [dreg:s22], $0x5FFFF  }
0xc1: {  	[dreg:$0x1] =	wrdreg $0xFFFFFFFF  }
0xc2: {  	[dreg:$0x0] =	wrdreg $0x60  }
0xc3: {  	[dreg:$0x2] =	wrdreg s2  }
0xc4: {  	[dreg:$0x3] =	wrdreg s24  }
0xc5: {  	[dreg:$0x4] =	wrdreg s17  }
0xc6: {  	[dreg:$0x5] =	wrdreg $0xA  }
0xc7: {  	_ =	task.clear_ibuf [dreg:s22], $0x6FFFF;
	_ =	strace $0x90000049  }
0xc8: {  	s29 =	simm.s32 $0xA;
	_ =	strace $0x8000004B  }
0xc9: {  	_ =	swait.ge [sflag:s29], $0x1  }
0xca: {  	[sflag:s29] =	ssyncadd.s32 $0xFFFFFFFF  }
0xcb: {  	_ =	strace $0x9000004B  }
0xcc: {  	_ =	sfence  }
0xcd: {  	s30 =	sld [smem:$0x0];
	_ =	sdelay $0x2  }
0xce: {  	s31 =	sshll.u32 s1, $0xD;
	s1 =	sshrl.u32 s1, $0x2  }
0xcf: {  	s4 =	sand.u32 $0x4000, s31;
	s1 =	sadd.s32 s1, s30  }
0xd0: {  	s0 =	sor.u32 s4, s0;
	s1 =	sshll.u32 s1, $0x11  }
0xd1: {  	s0 =	sor.u32 s1, s0  }
0xd2: {  	s0 =	sadd.s32 $0x8F2B, s0  }
0xd3: {  	[sflag:s0] =	ssyncadd.remote.s32 $0x1  }
0xd4: {  	_ =	sfence.sel $0xFFFF  }
0xd5: {  	[dreg:$0x0] =	wrdreg $0xFFFFFFFF;
	(pc) =	sbr.abs _section_cstart, $3  }
0xd6: {  	[dreg:$0x1] =	wrdreg $0xFFFFFFFF  }
0xd7: {  	_ =	task.clear_ibuf [dreg:s22], $0x2FFFF;
	_ =	strace $0x9FFFFFFF  }
0xd8: {  	(tm) =	ssettm $0x7FFFFFFF  }
0xd9: {  	_ =	shalt  }
tec
execute0_lowered:
.L_overlay_start_1:
0x0: {  	(tag) =	ssettag $0x1  }
0x1: {  	s0 =	srdreg.scid  }
0x2: {  	s7 =	stileid.u32;
	s2 =	rddreg [dreg:$0x0]  }
0x3: {  	s4 =	rddreg [dreg:$0x1];
	s0 =	sand.u32 $0x1, s0;
	s1 =	smul.u32 $0x660, s7  }
0x4: {  	s6 =	rddreg [dreg:$0x2];
	s3 =	smul.u32 $0x330, s0  }
0x5: {  	s13 =	simm.s32 $0x900;
	s14 =	simm.s32 $0x1100;
	s15 =	simm.s32 $0x1900  }
0x6: {  	s17 =	simm.s32 $0x2100;
	s1 =	sadd.s32 s3, s1;
	s3 =	simm.s32 $0x0  }
0x7: {  	s18 =	simm.s32 $0x2900;
	s19 =	simm.s32 $0x3100;
	[smem:$0x7FF] =	sst s3  }
0x8: {  	s20 =	simm.s32 $0x3900;
	_ =	strace $0x8000004A;
	[dreg:$0x5] =	wrdreg s13  }
0x9: {  	s21 =	simm.s32 $0x4100;
	s22 =	simm.s32 $0x4900;
	[dreg:$0x6] =	wrdreg s14  }
0xa: {  	s23 =	simm.s32 $0x5100;
	s16 =	ssub.s32 $0x2, s0;
	[dreg:$0x7] =	wrdreg s15  }
0xb: {  	s24 =	simm.s32 $0x5900;
	s5 =	sshrl.u32 s16, $0x1;
	[dreg:$0x8] =	wrdreg s17  }
0xc: {  	s25 =	simm.s32 $0x6100;
	s5 =	ssub.s32 s16, s5;
	[dreg:$0x9] =	wrdreg s18  }
0xd: {  	s26 =	simm.s32 $0x6900;
	s5 =	smax.u32 s5, $0x1;
	[dreg:$0xa] =	wrdreg s19  }
0xe: {  	s8 =	simm.s32 $0x100;
	s9 =	simm.s32 $0x7100;
	[dreg:$0x12] =	wrdreg s5  }
0xf: {  	s10 =	simm.s32 $0x7900;
	s7 =	smul.u32 $0x19800, s7;
	[dreg:$0xb] =	wrdreg s20  }
0x10: {  	s11 =	simm.s32 $0x8100;
	s0 =	smul.u32 $0xCC00, s0;
	[dreg:$0xc] =	wrdreg s21  }
0x11: {  	s12 =	simm.s32 $0x8900;
	s6 =	sadd.s32 s7, s6;
	[dreg:$0xd] =	wrdreg s22  }
0x12: {  	s28 =	simm.s32 $0x10100;
	s0 =	sadd.s32 s0, s6;
	[dreg:$0xe] =	wrdreg s23  }
0x13: {  	s29 =	simm.s32 $0x10900;
	s30 =	simm.s32 $0x1;
	[dreg:$0x13] =	wrdreg s0  }
0x14: {  	s31 =	simm.s32 $0x0;
	s7 =	simm.s32 $0x2;
	[dreg:$0xf] =	wrdreg s24  }
0x15: {  	s16 =	simm.s32 $0xA900;
	s1 =	sshrl.u32 s1, $0x3;
	[dreg:$0x10] =	wrdreg s25  }
0x16: {  	s1 =	sadd.s32 s1, s4;
	s4 =	sadd.s32 $0x100, s2;
	[dreg:$0x11] =	wrdreg s26  }
0x17: {  	s13 =	simm.s32 $0x9100;
	s14 =	simm.s32 $0x9900;
	s15 =	simm.s32 $0xA100  }
0x18: {  	s17 =	simm.s32 $0xB100;
	s18 =	simm.s32 $0xB900;
	s19 =	simm.s32 $0xC100  }
0x19: {  	v2 =	vlaneseq.u32;
	s20 =	simm.s32 $0xC900;
	s21 =	simm.s32 $0xD100;
	s22 =	simm.s32 $0xD900  }
0x1a: {  	vm0 =	vmmov $0xffff;
	v1 =	vshrl.u32 v2, $0x3;
	s23 =	simm.s32 $0xE100;
	s24 =	simm.s32 $0xE900;
	s1 =	sadd.s32 $0x6BC00, s1  }
0x1b: {  	v0 =	vand.u32 $0x7, v2;
	v2 =	vor.u32 $0x8, v2;
	v1 =	vmul.u32 $0x8, v1;
	s25 =	simm.s32 $0xF100;
	s26 =	simm.s32 $0xF900;
	[dreg:$0x4] =	wrdreg s1  }
.LBB2_1:
0x1c: {  	s6 =	rddreg [dreg:$0x13];
	s0 =	simm.s32 $0x0  }
.LBB2_2:
0x1d: {  	s5 =	rddreg [dreg:$0x4]  }
0x1e: {  	s5 =	sadd.s32 s0, s5  }
0x1f: {  	[tilespmem:s3], [sflag:$0x2] =	stream.linear.gather [hbm4b:s5+s3], $0x88, $0x38;
	[tilespmem:$0x11100] =	vst v63  }
0x20: {  	_ =	swait.ge [sflag:s7], $0x88  }
0x21: {  	[sflag:s7] =	ssyncset.done $0x0  }
0x22: {  	[sflag:s7] =	ssyncadd.s32 $0xFFFFFF78  }
0x23: {  	v3 =	vld [tilespmem:$0x0];
	_ =	sdelay $0x4  }
0x24: {  	v4 =	vshll.u32 v3, $0x2  }
0x25: {  	v3 =	vand.u32 $0x7, v3;
	v4 =	vand.u32 $0xFFFFFFE0, v4  }
0x26: {  	v3 =	vor.u32 v3, v4  }
0x27: {  	v4 =	vperm.xlane v3, v0;
	_ =	sdelay $0x1  }
0x28: {  	v4 =	vadd.s32 v1, v4;
	_ =	sdelay $0x1  }
0x29: {  	v3 =	vperm.xlane v3, v2;
	_ =	sdelay $0x1  }
0x2a: {  	v3 =	vadd.s32 v1, v3  }
0x2b: {  	[tilespmem:s8], [sflag:$0x1] =	stream.indirect_vreg.gather [hbm4b:s2+s3], $0x80, v4, vm0, $0xb8;
	[tilespmem:$0x11100] =	vst v63  }
0x2c: {  	s5 =	rddreg [dreg:$0x5]  }
0x2d: {  	[tilespmem:s5], [sflag:$0x1] =	stream.indirect_vreg.gather [hbm4b:s4+s3], $0x80, v4, vm0, $0xb8;
	[tilespmem:$0x11100] =	vst v63  }
0x2e: {  	s1 =	rddreg [dreg:$0x6]  }
0x2f: {  	[tilespmem:s1], [sflag:$0x1] =	stream.indirect_vreg.gather [hbm4b:s2+s3], $0x80, v3, vm0, $0xb8;
	[tilespmem:$0x11100] =	vst v63  }
0x30: {  	s5 =	rddreg [dreg:$0x7]  }
0x31: {  	[tilespmem:s5], [sflag:$0x1] =	stream.indirect_vreg.gather [hbm4b:s4+s3], $0x80, v3, vm0, $0xb8;
	[tilespmem:$0x11100] =	vst v63  }
0x32: {  	v3 =	vld [tilespmem:$0x10];
	_ =	sdelay $0x4  }
0x33: {  	v56 =	vshll.u32 v3, $0x2  }
0x34: {  	v3 =	vand.u32 $0x7, v3;
	v4 =	vand.u32 $0xFFFFFFE0, v56  }
0x35: {  	v3 =	vor.u32 v3, v4  }
0x36: {  	v4 =	vperm.xlane v3, v0;
	_ =	sdelay $0x1  }
0x37: {  	v4 =	vadd.s32 v1, v4;
	_ =	sdelay $0x1  }
0x38: {  	v3 =	vperm.xlane v3, v2;
	_ =	sdelay $0x1  }
0x39: {  	s1 =	rddreg [dreg:$0x8];
	v3 =	vadd.s32 v1, v3  }
0x3a: {  	[tilespmem:s1], [sflag:$0x1] =	stream.indirect_vreg.gather [hbm4b:s2+s3], $0x80, v4, vm0, $0xb8;
	[tilespmem:$0x11100] =	vst v63  }
0x3b: {  	s5 =	rddreg [dreg:$0x9]  }
0x3c: {  	[tilespmem:s5], [sflag:$0x1] =	stream.indirect_vreg.gather [hbm4b:s4+s3], $0x80, v4, vm0, $0xb8;
	[tilespmem:$0x11100] =	vst v63  }
0x3d: {  	s1 =	rddreg [dreg:$0xa]  }
0x3e: {  	[tilespmem:s1], [sflag:$0x1] =	stream.indirect_vreg.gather [hbm4b:s2+s3], $0x80, v3, vm0, $0xb8;
	[tilespmem:$0x11100] =	vst v63  }
0x3f: {  	s5 =	rddreg [dreg:$0xb]  }
0x40: {  	[tilespmem:s5], [sflag:$0x1] =	stream.indirect_vreg.gather [hbm4b:s4+s3], $0x80, v3, vm0, $0xb8;
	[tilespmem:$0x11100] =	vst v63  }
0x41: {  	v3 =	vld [tilespmem:$0x20];
	_ =	sdelay $0x4  }
0x42: {  	v57 =	vshll.u32 v3, $0x2  }
0x43: {  	v3 =	vand.u32 $0x7, v3;
	v4 =	vand.u32 $0xFFFFFFE0, v57  }
0x44: {  	v3 =	vor.u32 v3, v4  }
0x45: {  	v4 =	vperm.xlane v3, v0;
	_ =	sdelay $0x1  }
0x46: {  	v4 =	vadd.s32 v1, v4;
	_ =	sdelay $0x1  }
0x47: {  	v3 =	vperm.xlane v3, v2;
	_ =	sdelay $0x1  }
0x48: {  	s1 =	rddreg [dreg:$0xc];
	v3 =	vadd.s32 v1, v3  }
0x49: {  	[tilespmem:s1], [sflag:$0x1] =	stream.indirect_vreg.gather [hbm4b:s2+s3], $0x80, v4, vm0, $0xb8;
	[tilespmem:$0x11100] =	vst v63  }
0x4a: {  	s5 =	rddreg [dreg:$0xd]  }
0x4b: {  	[tilespmem:s5], [sflag:$0x1] =	stream.indirect_vreg.gather [hbm4b:s4+s3], $0x80, v4, vm0, $0xb8;
	[tilespmem:$0x11100] =	vst v63  }
0x4c: {  	s1 =	rddreg [dreg:$0xe]  }
0x4d: {  	[tilespmem:s1], [sflag:$0x1] =	stream.indirect_vreg.gather [hbm4b:s2+s3], $0x80, v3, vm0, $0xb8;
	[tilespmem:$0x11100] =	vst v63  }
0x4e: {  	s5 =	rddreg [dreg:$0xf]  }
0x4f: {  	[tilespmem:s5], [sflag:$0x1] =	stream.indirect_vreg.gather [hbm4b:s4+s3], $0x80, v3, vm0, $0xb8;
	[tilespmem:$0x11100] =	vst v63  }
0x50: {  	v3 =	vld [tilespmem:$0x30];
	_ =	sdelay $0x4  }
0x51: {  	v58 =	vshll.u32 v3, $0x2  }
0x52: {  	v3 =	vand.u32 $0x7, v3;
	v4 =	vand.u32 $0xFFFFFFE0, v58  }
0x53: {  	v3 =	vor.u32 v3, v4  }
0x54: {  	v4 =	vperm.xlane v3, v0;
	_ =	sdelay $0x1  }
0x55: {  	v4 =	vadd.s32 v1, v4;
	_ =	sdelay $0x1  }
0x56: {  	v3 =	vperm.xlane v3, v2;
	_ =	sdelay $0x1  }
0x57: {  	s1 =	rddreg [dreg:$0x10];
	v3 =	vadd.s32 v1, v3  }
0x58: {  	[tilespmem:s1], [sflag:$0x1] =	stream.indirect_vreg.gather [hbm4b:s2+s3], $0x80, v4, vm0, $0xb8;
	[tilespmem:$0x11100] =	vst v63  }
0x59: {  	s5 =	rddreg [dreg:$0x11]  }
0x5a: {  	[tilespmem:s5], [sflag:$0x1] =	stream.indirect_vreg.gather [hbm4b:s4+s3], $0x80, v4, vm0, $0xb8;
	[tilespmem:$0x11100] =	vst v63  }
0x5b: {  	_ = 	snop  }
0x5c: {  	[tilespmem:s9], [sflag:$0x1] =	stream.indirect_vreg.gather [hbm4b:s2+s3], $0x80, v3, vm0, $0xb8;
	[tilespmem:$0x11100] =	vst v63  }
0x5d: {  	_ = 	snop  }
0x5e: {  	[tilespmem:s10], [sflag:$0x1] =	stream.indirect_vreg.gather [hbm4b:s4+s3], $0x80, v3, vm0, $0xb8;
	[tilespmem:$0x11100] =	vst v63  }
0x5f: {  	v3 =	vld [tilespmem:$0x40];
	_ =	sdelay $0x4  }
0x60: {  	v59 =	vshll.u32 v3, $0x2  }
0x61: {  	v3 =	vand.u32 $0x7, v3;
	v4 =	vand.u32 $0xFFFFFFE0, v59  }
0x62: {  	v3 =	vor.u32 v3, v4  }
0x63: {  	v4 =	vperm.xlane v3, v0;
	_ =	sdelay $0x1  }
0x64: {  	v4 =	vadd.s32 v1, v4;
	_ =	sdelay $0x1  }
0x65: {  	v3 =	vperm.xlane v3, v2;
	_ =	sdelay $0x1  }
0x66: {  	v3 =	vadd.s32 v1, v3  }
0x67: {  	[tilespmem:s11], [sflag:$0x1] =	stream.indirect_vreg.gather [hbm4b:s2+s3], $0x80, v4, vm0, $0xb8;
	[tilespmem:$0x11100] =	vst v63  }
0x68: {  	_ = 	snop  }
0x69: {  	[tilespmem:s12], [sflag:$0x1] =	stream.indirect_vreg.gather [hbm4b:s4+s3], $0x80, v4, vm0, $0xb8;
	[tilespmem:$0x11100] =	vst v63  }
0x6a: {  	_ = 	snop  }
0x6b: {  	[tilespmem:s13], [sflag:$0x1] =	stream.indirect_vreg.gather [hbm4b:s2+s3], $0x80, v3, vm0, $0xb8;
	[tilespmem:$0x11100] =	vst v63  }
0x6c: {  	_ = 	snop  }
0x6d: {  	[tilespmem:s14], [sflag:$0x1] =	stream.indirect_vreg.gather [hbm4b:s4+s3], $0x80, v3, vm0, $0xb8;
	[tilespmem:$0x11100] =	vst v63  }
0x6e: {  	v3 =	vld [tilespmem:$0x50];
	_ =	sdelay $0x4  }
0x6f: {  	v60 =	vshll.u32 v3, $0x2  }
0x70: {  	v3 =	vand.u32 $0x7, v3;
	v4 =	vand.u32 $0xFFFFFFE0, v60  }
0x71: {  	v3 =	vor.u32 v3, v4  }
0x72: {  	v4 =	vperm.xlane v3, v0;
	_ =	sdelay $0x1  }
0x73: {  	v4 =	vadd.s32 v1, v4;
	_ =	sdelay $0x1  }
0x74: {  	v3 =	vperm.xlane v3, v2;
	_ =	sdelay $0x1  }
0x75: {  	v3 =	vadd.s32 v1, v3  }
0x76: {  	[tilespmem:s15], [sflag:$0x1] =	stream.indirect_vreg.gather [hbm4b:s2+s3], $0x80, v4, vm0, $0xb8;
	[tilespmem:$0x11100] =	vst v63  }
0x77: {  	_ = 	snop  }
0x78: {  	[tilespmem:s16], [sflag:$0x1] =	stream.indirect_vreg.gather [hbm4b:s4+s3], $0x80, v4, vm0, $0xb8;
	[tilespmem:$0x11100] =	vst v63  }
0x79: {  	_ = 	snop  }
0x7a: {  	[tilespmem:s17], [sflag:$0x1] =	stream.indirect_vreg.gather [hbm4b:s2+s3], $0x80, v3, vm0, $0xb8;
	[tilespmem:$0x11100] =	vst v63  }
0x7b: {  	_ = 	snop  }
0x7c: {  	[tilespmem:s18], [sflag:$0x1] =	stream.indirect_vreg.gather [hbm4b:s4+s3], $0x80, v3, vm0, $0xb8;
	[tilespmem:$0x11100] =	vst v63  }
0x7d: {  	v3 =	vld [tilespmem:$0x60];
	_ =	sdelay $0x4  }
0x7e: {  	v61 =	vshll.u32 v3, $0x2  }
0x7f: {  	v3 =	vand.u32 $0x7, v3;
	v4 =	vand.u32 $0xFFFFFFE0, v61  }
0x80: {  	v3 =	vor.u32 v3, v4  }
0x81: {  	v4 =	vperm.xlane v3, v0;
	_ =	sdelay $0x1  }
0x82: {  	v4 =	vadd.s32 v1, v4;
	_ =	sdelay $0x1  }
0x83: {  	v3 =	vperm.xlane v3, v2;
	_ =	sdelay $0x1  }
0x84: {  	v3 =	vadd.s32 v1, v3  }
0x85: {  	[tilespmem:s19], [sflag:$0x1] =	stream.indirect_vreg.gather [hbm4b:s2+s3], $0x80, v4, vm0, $0xb8;
	[tilespmem:$0x11100] =	vst v63  }
0x86: {  	_ = 	snop  }
0x87: {  	[tilespmem:s20], [sflag:$0x1] =	stream.indirect_vreg.gather [hbm4b:s4+s3], $0x80, v4, vm0, $0xb8;
	[tilespmem:$0x11100] =	vst v63  }
0x88: {  	_ = 	snop  }
0x89: {  	[tilespmem:s21], [sflag:$0x1] =	stream.indirect_vreg.gather [hbm4b:s2+s3], $0x80, v3, vm0, $0xb8;
	[tilespmem:$0x11100] =	vst v63  }
0x8a: {  	_ = 	snop  }
0x8b: {  	[tilespmem:s22], [sflag:$0x1] =	stream.indirect_vreg.gather [hbm4b:s4+s3], $0x80, v3, vm0, $0xb8;
	[tilespmem:$0x11100] =	vst v63  }
0x8c: {  	v3 =	vld [tilespmem:$0x70];
	_ =	sdelay $0x4  }
0x8d: {  	v62 =	vshll.u32 v3, $0x2  }
0x8e: {  	v3 =	vand.u32 $0x7, v3;
	v4 =	vand.u32 $0xFFFFFFE0, v62  }
0x8f: {  	v3 =	vor.u32 v3, v4  }
0x90: {  	v4 =	vperm.xlane v3, v0;
	_ =	sdelay $0x1  }
0x91: {  	v4 =	vadd.s32 v1, v4;
	_ =	sdelay $0x1  }
0x92: {  	v3 =	vperm.xlane v3, v2;
	_ =	sdelay $0x1  }
0x93: {  	v3 =	vadd.s32 v1, v3  }
0x94: {  	[tilespmem:s23], [sflag:$0x1] =	stream.indirect_vreg.gather [hbm4b:s2+s3], $0x80, v4, vm0, $0xb8;
	[tilespmem:$0x11100] =	vst v63  }
0x95: {  	_ = 	snop  }
0x96: {  	[tilespmem:s24], [sflag:$0x1] =	stream.indirect_vreg.gather [hbm4b:s4+s3], $0x80, v4, vm0, $0xb8;
	[tilespmem:$0x11100] =	vst v63  }
0x97: {  	_ = 	snop  }
0x98: {  	[tilespmem:s25], [sflag:$0x1] =	stream.indirect_vreg.gather [hbm4b:s2+s3], $0x80, v3, vm0, $0xb8;
	[tilespmem:$0x11100] =	vst v63  }
0x99: {  	_ = 	snop  }
0x9a: {  	[tilespmem:s26], [sflag:$0x1] =	stream.indirect_vreg.gather [hbm4b:s4+s3], $0x80, v3, vm0, $0xb8;
	[tilespmem:$0x11100] =	vst v63  }
0x9b: {  	v3 =	vld.msk [tilespmem:$0x80], $0xff;
	_ =	sdelay $0x4  }
0x9c: {  	v63 =	vshll.u32 v3, $0x2  }
0x9d: {  	v3 =	vand.u32 $0x7, v3;
	v4 =	vand.u32 $0xFFFFFFE0, v63  }
0x9e: {  	v3 =	vor.u32 v3, v4  }
0x9f: {  	v3 =	vperm.xlane v3, v0;
	_ =	sdelay $0x1  }
0xa0: {  	v3 =	vadd.s32 v1, v3;
	_ =	sdelay $0x4  }
0xa1: {  	[tilespmem:s28], [sflag:$0x1] =	stream.indirect_vreg.gather [hbm4b:s2+s3], $0x80, v3, vm0, $0xb8;
	[tilespmem:$0x11100] =	vst v63  }
0xa2: {  	_ = 	snop  }
0xa3: {  	[tilespmem:s29], [sflag:$0x1] =	stream.indirect_vreg.gather [hbm4b:s4+s3], $0x80, v3, vm0, $0xb8;
	[tilespmem:$0x11100] =	vst v63  }
0xa4: {  	_ =	swait.ge [sflag:s30], $0x11000  }
0xa5: {  	p0 =	sne.s32 s0, $0x55;
	[sflag:s30] =	ssyncset.done $0x0  }
.Ltmp0:
0xa6: {  	[sflag:s30] =	ssyncadd.s32 $0xFFFEF000;
	(pc) =	sbr.rel @p0 .LBB2_2-.Ltmp0, $4  }
0xa7: {  	[hbm4b:s6+s3] =	stream.linear.scatter [tilespmem:s8], [sflag:$0x2], $0x11000, $0x38;
	[tilespmem:$0x11100] =	vst v63  }
0xa8: {  	_ =	swait.ge [sflag:s7], $0x11000  }
0xa9: {  	[sflag:s7] =	ssyncset.done $0x0  }
0xaa: {  	s0 =	sadd.s32 $0x11, s0;
	s6 =	sadd.s32 $0x2200, s6;
	[sflag:s7] =	ssyncadd.s32 $0xFFFEF000  }
0xab: {  	s31 =	sadd.s32 $0x1, s31;
	s0 =	rddreg [dreg:$0x12]  }
0xac: {  	p0 =	sne.s32 s31, s0  }
.Ltmp1:
0xad: {  	_ = 	snop;
	(pc) =	sbr.rel @p0 .LBB2_1-.Ltmp1, $1  }
0xae: {  	_ =	sdelay $0x3  }
0xaf: {  	_ =	sfence.sel $0x180000  }
0xb0: {  	[bflag:$0x0] =	sbarrier.arrive $0xFFFF  }
0xb1: {  	_ =	strace $0x9000004A  }
0xb2: {  	s0 =	stileid.u32;
	[bflag:$0x2] =	sbarrier.arrive $0xFFFF  }
0xb3: {  	p0 =	sne.s32 s0, $0x0;
	s0 =	rddreg [dreg:$0x3]  }
0xb4: {  	s0 =	sadd.s32 @!p0 $0x100000, s0  }
0xb5: {  	[sflag:s0] =	ssyncadd.tile.s32 @!p0 $0x1;
	_ =	shalt  }
.Lfunc_end2:
_tile_overlayer_lowered:
.L_overlay_start_2:
0xb6: {  	(tag) =	ssettag $0x2  }
0xb7: {  	s0 =	rddreg [dreg:$0x0];
	s2 =	stileid.u32  }
0xb8: {  	s1 =	rddreg [dreg:$0x1];
	p0 =	sne.s32 s2, $0x0  }
0xb9: {  	s3 =	rddreg [dreg:$0x2];
	[bflag:$0x3] =	sbarrier.arrive $0xFFFF;
	s2 =	simm.s32 @!p0 $0x1C02  }
0xba: {  	[timem:s3], [sflag:s2] =	dma.local @!p0 [hbm:s0], s1  }
0xbb: {  	s0 =	simm.s32 @!p0 $0x2  }
0xbc: {  	_ =	swait.ge @!p0 [sflag:s0], s1  }
0xbd: {  	s1 =	ssub.s32 @!p0 $0x0, s1;
	[sflag:s0] =	ssyncset.done @!p0 $0x0  }
0xbe: {  	[sflag:s0] =	ssyncadd.s32 @!p0 s1  }
0xbf: {  	[bflag:$0x3] =	sbarrier.arrive $0xFFFF  }
0xc0: {  	_ =	shalt  }

// kernel: kernel.7.cloned.1.call-start
scs
__scs_entry_jumppad:
0x0: {  	(pc) =	sbr.rel $0x88, $3  }
0x1: {  	(tag) =	ssettag $0x0;
	lr =	simm.s32 $0x1  }
0x2: {  	[smem:$0x3F93] =	sst lr;
	_ =	strace $0xD0000000  }
0x3: {  	_ = 	snop  }
0x4: {  	_ = 	snop  }
0x5: {  	_ = 	snop  }
0x6: {  	_ = 	snop  }
0x7: {  	_ = 	snop  }
__scs_overlays_trampoline_lowered:
0x8: {  	[smem:$0x3FA2] =	sst s0  }
0x9: {  	[smem:$0x3FA3] =	sst s1  }
0xa: {  	[smem:$0x3FA4] =	sst s2  }
0xb: {  	[smem:$0x3FA5] =	sst s3  }
0xc: {  	[smem:$0x3FA6] =	sst s4  }
0xd: {  	[smem:$0x3FA7] =	sst s5  }
0xe: {  	[smem:$0x3FA8] =	sst s6  }
0xf: {  	[smem:$0x3FA9] =	sst s7  }
0x10: {  	[smem:$0x3FAA] =	sst s8  }
0x11: {  	[smem:$0x3FAB] =	sst s9;
	s0 =	simm.s32 @!p0 $0x0  }
0x12: {  	s1 =	sld [smem:$0x3F91];
	s0 =	simm.s32 @p0 $0x1  }
0x13: {  	[smem:$0x3FAC] =	sst s0;
	s0 =	simm.s32 @!p1 $0x0  }
0x14: {  	s2 =	sld [smem:$0x3F90];
	s0 =	simm.s32 @p1 $0x1  }
0x15: {  	[smem:$0x3FAD] =	sst s0;
	s0 =	simm.s32 @!p2 $0x0  }
0x16: {  	s3 =	sld [smem:$0x3FDB];
	s0 =	simm.s32 @p2 $0x1  }
0x17: {  	s4 =	simm.s32 $0x1BF5;
	[smem:$0x3FAF] =	sst s0  }
0x18: {  	s0 =	sld [smem:$0x3F92];
	_ =	swait.ge [sflag:s4], $0x0  }
0x19: {  	s7 =	sld [smem:$0x3F93]  }
0x1a: {  	s8 =	sadd.s32 $0xFFFFE003, lr  }
0x1b: {  	s9 =	sadd.s32 $0xFFFFFEF7, lr;
	s5 =	simm.s32 $0xFFFFFFFF;
	p2 =	slt.u32 s8, $0xFFFFF086  }
0x1c: {  	p1 =	slt.u32 s9, $0xF7A;
	s5 =	simm.s32 @!p2 $0x0  }
0x1d: {  	s5 =	simm.s32 @p1 $0x1;
	p0 =	seq.s32 s7, s2  }
0x1e: {  	s7 =	smul.u32 @!p0 $0xF7A, s2;
	p2 =	seq.s32 @!p0 s5, $0x0  }
0x1f: {  	s9 =	smul.u32 $0xF7A, s1;
	s8 =	simm.s32 @!p0 $0x1BF5;
	p2 =	por !p2, p0  }
0x20: {  	[sflag:s8] =	ssyncset.s32 @!p0 $0xFFFFF086;
	s6 =	sadd.s32 @!p0 s3, s7;
	s7 =	simm.s32 @!p0 $0x108  }
0x21: {  	s3 =	sadd.s32 s3, s9;
	s6 =	sadd.s32 @!p0 $0x88, s6;
	s7 =	simm.s32 @p2 $0x1082  }
0x22: {  	[simem:s7], [sflag:s8] =	dma.local @!p0 [hbm:s6], $0xF7A  }
0x23: {  	s9 =	sor.u32 $0xD0000000, s2;
	s6 =	simm.s32 $0x108;
	_ =	swait.ge @!p0 [sflag:s8], $0x0  }
0x24: {  	s3 =	sadd.s32 $0x88, s3;
	s6 =	simm.s32 @!p1 $0x1082;
	[sflag:s4] =	ssyncset.s32 $0xFFFFF086  }
0x25: {  	[simem:s6], [sflag:s4] =	dma.local [hbm:s3], $0xF7A  }
0x26: {  	[smem:$0x3F93] =	sst s1;
	(tag) =	ssettag s2;
	_ =	strace s9  }
0x27: {  	s1 =	sld [smem:$0x3FA3]  }
0x28: {  	s2 =	sld [smem:$0x3FA4]  }
0x29: {  	s4 =	sld [smem:$0x3FA6]  }
0x2a: {  	p0 =	seq.s32 s5, $0x0;
	s5 =	sld [smem:$0x3FA7]  }
0x2b: {  	s6 =	sld [smem:$0x3FA8]  }
0x2c: {  	s7 =	sld [smem:$0x3FA9]  }
0x2d: {  	s3 =	simm.s32 $0x108;
	s8 =	sld [smem:$0x3FAA]  }
0x2e: {  	s3 =	simm.s32 @!p0 $0x1082;
	s9 =	sld [smem:$0x3FAB]  }
0x2f: {  	lr =	sadd.s32 s0, s3;
	s0 =	sld [smem:$0x3FA2]  }
0x30: {  	s3 =	sld [smem:$0x3FA5]  }
0x31: {  	[smem:$0x3FAE] =	sst s10  }
0x32: {  	s10 =	sld [smem:$0x3FAC];
	_ =	sdelay $0x3  }
0x33: {  	p0 =	seq.s32 s10, $0x1;
	s10 =	sld [smem:$0x3FAE];
	_ =	sdelay $0x3  }
0x34: {  	[smem:$0x3FAE] =	sst s10  }
0x35: {  	s10 =	sld [smem:$0x3FAD];
	_ =	sdelay $0x3  }
0x36: {  	p1 =	seq.s32 s10, $0x1;
	s10 =	sld [smem:$0x3FAE];
	_ =	sdelay $0x3  }
0x37: {  	[smem:$0x3FAE] =	sst s10  }
0x38: {  	s10 =	sld [smem:$0x3FAF]  }
0x39: {  	_ = 	snop;
	(pc) =	sbr.ind lr, $3  }
0x3a: {  	_ = 	snop  }
0x3b: {  	_ = 	snop  }
0x3c: {  	p2 =	seq.s32 s10, $0x1;
	s10 =	sld [smem:$0x3FAE]  }
0x3d: {  	_ =	shalt  }
0x3e: {  	_ =	shalt  }
0x3f: {  	_ =	shalt  }
0x40: {  	_ =	shalt  }
0x41: {  	_ =	shalt  }
0x42: {  	_ =	shalt  }
0x43: {  	_ =	shalt  }
0x44: {  	_ =	shalt  }
0x45: {  	_ =	shalt  }
0x46: {  	_ =	shalt  }
0x47: {  	_ =	shalt  }
0x48: {  	_ =	shalt  }
0x49: {  	_ =	shalt  }
0x4a: {  	_ =	shalt  }
0x4b: {  	_ =	shalt  }
0x4c: {  	_ =	shalt  }
0x4d: {  	_ =	shalt  }
0x4e: {  	_ =	shalt  }
0x4f: {  	_ =	shalt  }
0x50: {  	_ =	shalt  }
0x51: {  	_ =	shalt  }
0x52: {  	_ =	shalt  }
0x53: {  	_ =	shalt  }
0x54: {  	_ =	shalt  }
0x55: {  	_ =	shalt  }
0x56: {  	_ =	shalt  }
0x57: {  	_ =	shalt  }
0x58: {  	_ =	shalt  }
0x59: {  	_ =	shalt  }
0x5a: {  	_ =	shalt  }
0x5b: {  	_ =	shalt  }
0x5c: {  	_ =	shalt  }
0x5d: {  	_ =	shalt  }
0x5e: {  	_ =	shalt  }
0x5f: {  	_ =	shalt  }
0x60: {  	_ =	shalt  }
0x61: {  	_ =	shalt  }
0x62: {  	_ =	shalt  }
0x63: {  	_ =	shalt  }
0x64: {  	_ =	shalt  }
0x65: {  	_ =	shalt  }
0x66: {  	_ =	shalt  }
0x67: {  	_ =	shalt  }
0x68: {  	_ =	shalt  }
0x69: {  	_ =	shalt  }
0x6a: {  	_ =	shalt  }
0x6b: {  	_ =	shalt  }
0x6c: {  	_ =	shalt  }
0x6d: {  	_ =	shalt  }
0x6e: {  	_ =	shalt  }
0x6f: {  	_ =	shalt  }
0x70: {  	_ =	shalt  }
0x71: {  	_ =	shalt  }
0x72: {  	_ =	shalt  }
0x73: {  	_ =	shalt  }
0x74: {  	_ =	shalt  }
0x75: {  	_ =	shalt  }
0x76: {  	_ =	shalt  }
0x77: {  	_ =	shalt  }
0x78: {  	_ =	shalt  }
0x79: {  	_ =	shalt  }
0x7a: {  	_ =	shalt  }
0x7b: {  	_ =	shalt  }
0x7c: {  	_ =	shalt  }
0x7d: {  	_ =	shalt  }
0x7e: {  	_ =	shalt  }
0x7f: {  	_ =	shalt  }
0x80: {  	_ =	shalt  }
0x81: {  	_ =	shalt  }
0x82: {  	_ =	shalt  }
0x83: {  	_ =	shalt  }
0x84: {  	_ =	shalt  }
0x85: {  	_ =	shalt  }
0x86: {  	_ =	shalt  }
0x87: {  	_ =	shalt  }
.Lfunc_end0:
.L_simem_size_0:
called_computation_lowered:
.L_overlay_start_0:
0x88: {  	s2 =	sld [smem:$0x3FD9]  }
0x89: {  	s3 =	sld [smem:$0x3FFE];
	_ =	sdelay $0x1  }
0x8a: {  	s1 =	srdreg.scid  }
0x8b: {  	s0 =	sand.u32 $0x1, s1  }
0x8c: {  	s16 =	sshll.u32 s0, $0xA;
	s2 =	sadd.s32 s3, s2  }
0x8d: {  	s2 =	sadd.s32 s2, s16  }
0x8e: {  	[smem:$0x3FBA] =	sst s2  }
0x8f: {  	_ = 	snop  }
0x90: {  	(tm) =	ssettm $0x1  }
0x91: {  	s17 =	sld [smem:$0x3FFB];
	_ =	sdelay $0x3  }
0x92: {  	_ =	strace s17  }
0x93: {  	s2 =	sld [smem:$0x3FFC];
	_ =	sdelay $0x3  }
0x94: {  	_ =	strace s2  }
0x95: {  	s2 =	sld [smem:$0x3FFD];
	_ =	sdelay $0x3  }
0x96: {  	_ =	strace s2  }
0x97: {  	_ =	strace $0x8FFFFFFF  }
0x98: {  	s18 =	sld [smem:$0x3FDB];
	_ =	sdelay $0x1  }
0x99: {  	s19 =	simm.s32 $_scs_section_size  }
0x9a: {  	s4 =	simm.s32 $_size__tile_overlayer_lowered;
	s5 =	simm.s32 $_tile_overlayer_lowered  }
0x9b: {  	s22 =	simm.s32 $0x1BFF;
	s21 =	sshll.u32 s5, $0x1;
	s2 =	sadd.s32 s19, s18  }
0x9c: {  	s6 =	simm.s32 $0x0;
	s20 =	sshll.u32 s4, $0x1;
	s4 =	sadd.s32 s21, s2  }
0x9d: {  	[timem:s6], [sflag:s22] =	dma.local [hbm:s4], s20  }
0x9e: {  	_ =	swait.ge [sflag:s22], s20  }
0x9f: {  	s3 =	ssub.s32 $0x0, s20;
	[sflag:s22] =	ssyncset.done $0x0  }
0xa0: {  	[sflag:s22] =	ssyncadd.s32 s3;
	_ =	sdelay $0x1  }
0xa1: {  	s23 =	simm.s32 $0x1B8B  }
0xa2: {  	_ =	swait.ge [sflag:s23], $0x1  }
0xa3: {  	[sflag:s23] =	ssyncset.done $0x0  }
0xa4: {  	s25 =	simm.s32 $0x1B8E;
	s24 =	sld [smem:$0x3FFE];
	[sflag:s23] =	ssyncadd.s32 $0xFFFFFFFF  }
0xa5: {  	s26 =	simm.s32 $execute0_lowered;
	[smem:$0x3FD2] =	sst s25  }
0xa6: {  	s4 =	sshll.u32 s26, $0x1;
	_ =	strace $0x80000046;
	[dreg:$0x1] =	wrdreg $0xFFFFFFFF  }
0xa7: {  	s28 =	simm.s32 $_size_execute0_lowered;
	s2 =	sadd.s32 s2, s4;
	[dreg:$0x0] =	wrdreg $0x0  }
0xa8: {  	s4 =	sshll.u32 s28, $0x1;
	[dreg:$0x2] =	wrdreg s2  }
0xa9: {  	[dreg:$0x3] =	wrdreg s4  }
0xaa: {  	[dreg:$0x4] =	wrdreg $0xC0  }
0xab: {  	_ =	task [dreg:s6], $0x5FFFF  }
0xac: {  	[dreg:$0x1] =	wrdreg $0xFFFFFFFF  }
0xad: {  	[dreg:$0x0] =	wrdreg $0x60  }
0xae: {  	[dreg:$0x2] =	wrdreg s24  }
0xaf: {  	[dreg:$0x3] =	wrdreg $0x9  }
0xb0: {  	_ =	task.clear_ibuf [dreg:s6], $0x4FFFF;
	_ =	strace $0x90000046  }
0xb1: {  	s29 =	simm.s32 $0x9;
	_ =	strace $0x80000048  }
0xb2: {  	_ =	swait.ge [sflag:s29], $0x1  }
0xb3: {  	[sflag:s29] =	ssyncadd.s32 $0xFFFFFFFF  }
0xb4: {  	_ =	strace $0x90000048  }
0xb5: {  	_ =	sfence  }
0xb6: {  	s30 =	sld [smem:$0x0];
	_ =	sdelay $0x2  }
0xb7: {  	s31 =	sshll.u32 s1, $0xD;
	s1 =	sshrl.u32 s1, $0x2  }
0xb8: {  	s3 =	sand.u32 $0x4000, s31;
	s1 =	sadd.s32 s1, s30  }
0xb9: {  	s0 =	sor.u32 s3, s0;
	s1 =	sshll.u32 s1, $0x11  }
0xba: {  	s0 =	sor.u32 s1, s0  }
0xbb: {  	s0 =	sadd.s32 $0x8F2B, s0  }
0xbc: {  	[sflag:s0] =	ssyncadd.remote.s32 $0x1  }
0xbd: {  	_ =	sfence.sel $0xFFFF  }
0xbe: {  	[dreg:$0x0] =	wrdreg $0xFFFFFFFF;
	(pc) =	sbr.abs _section_cstart, $3  }
0xbf: {  	[dreg:$0x1] =	wrdreg $0xFFFFFFFF  }
0xc0: {  	_ =	task.clear_ibuf [dreg:s6], $0x2FFFF;
	_ =	strace $0x9FFFFFFF  }
0xc1: {  	(tm) =	ssettm $0x7FFFFFFF  }
tec
execute0_lowered:
.L_overlay_start_1:
0x0: {  	(tag) =	ssettag $0x1  }
0x1: {  	s1 =	srdreg.scid;
	s0 =	stileid.u32  }
0x2: {  	s6 =	sand.u32 $0x1, s1;
	s30 =	sshll.u32 s0, $0x1  }
0x3: {  	s9 =	rddreg [dreg:$0x0];
	s7 =	sor.u32 s6, s30  }
0x4: {  	s2 =	simm.s32 $0x0;
	s1 =	rddreg [dreg:$0x1];
	s3 =	smul.u32 $0x66, s7  }
0x5: {  	s8 =	simm.s32 $0x1;
	[smem:$0x7FF] =	sst s2;
	s5 =	sadd.s32 $0x1C00, s9  }
0x6: {  	_ =	strace $0x80000047;
	s11 =	ssub.s32 $0x2, s6;
	s3 =	sadd.s32 s3, s9  }
0x7: {  	s6 =	simm.s32 $0x330;
	s4 =	sadd.s32 $0x6BC00, s3;
	s3 =	simm.s32 $0x2  }
0x8: {  	[tilespmem:s2], [sflag:$0x2] =	stream.linear.gather [hbm4b:s4+s2], $0x330, $0x38;
	[tilespmem:$0x19B80] =	vst v63  }
0x9: {  	s10 =	smul.u32 $0x3300, s7;
	s12 =	sshrl.u32 s11, $0x1;
	_ =	swait.ge [sflag:s3], $0x330  }
0xa: {  	s7 =	simm.s32 $0x380;
	s31 =	ssub.s32 s11, s12;
	[sflag:s3] =	ssyncset.done $0x0  }
0xb: {  	s9 =	sadd.s32 s10, s9;
	s10 =	smax.u32 s31, $0x1;
	[sflag:s3] =	ssyncadd.s32 $0xFFFFFCD0  }
0xc: {  	[tilespmem:s7], [sflag:$0x1] =	stream.indirect.gather [hbm4b:s5+s6], $0x80, s2, s6, $0xb8;
	[tilespmem:$0x19B80] =	vst v63  }
0xd: {  	p0 =	sne.s32 s10, $0x1;
	_ =	swait.ge [sflag:s8], $0x19800  }
.Ltmp0:
0xe: {  	[sflag:s8] =	ssyncset.done $0x0;
	(pc) =	sbr.rel @!p0 .LBB2_2-.Ltmp0, $4  }
0xf: {  	s9 =	sadd.s32 $0x6CA00, s9;
	[sflag:s8] =	ssyncadd.s32 $0xFFFE6800  }
0x10: {  	[hbm4b:s9+s2] =	stream.linear.scatter [tilespmem:s7], [sflag:$0x2], $0x19800, $0x38;
	[tilespmem:$0x19B80] =	vst v63  }
0x11: {  	_ =	swait.ge [sflag:s3], $0x19800  }
0x12: {  	s10 =	sadd.s32 $0xFFFFFFFF, s10;
	[sflag:s3] =	ssyncset.done $0x0  }
.LBB2_1:
0x13: {  	p0 =	sne.s32 s10, $0x1;
	s10 =	sadd.s32 $0xFFFFFFFF, s10;
	[sflag:s3] =	ssyncadd.s32 $0xFFFE6800  }
0x14: {  	[tilespmem:s2], [sflag:$0x2] =	stream.linear.gather [hbm4b:s4+s2], $0x330, $0x38;
	[tilespmem:$0x19B80] =	vst v63  }
0x15: {  	_ =	swait.ge [sflag:s3], $0x330  }
0x16: {  	[sflag:s3] =	ssyncset.done $0x0  }
0x17: {  	[sflag:s3] =	ssyncadd.s32 $0xFFFFFCD0  }
0x18: {  	[tilespmem:s7], [sflag:$0x1] =	stream.indirect.gather [hbm4b:s5+s6], $0x80, s2, s6, $0xb8;
	[tilespmem:$0x19B80] =	vst v63  }
0x19: {  	_ =	swait.ge [sflag:s8], $0x19800  }
.Ltmp1:
0x1a: {  	[sflag:s8] =	ssyncset.done $0x0;
	(pc) =	sbr.rel @p0 .LBB2_1-.Ltmp1, $4  }
0x1b: {  	[sflag:s8] =	ssyncadd.s32 $0xFFFE6800  }
0x1c: {  	[hbm4b:s9+s2] =	stream.linear.scatter [tilespmem:s7], [sflag:$0x2], $0x19800, $0x38;
	[tilespmem:$0x19B80] =	vst v63  }
0x1d: {  	_ =	swait.ge [sflag:s3], $0x19800  }
0x1e: {  	[sflag:s3] =	ssyncset.done $0x0  }
.LBB2_2:
0x1f: {  	[sflag:s3] =	ssyncadd.s32 $0xFFFE6800  }
0x20: {  	_ =	sfence.sel $0x180000  }
0x21: {  	[bflag:$0x0] =	sbarrier.arrive $0xFFFF  }
0x22: {  	p0 =	sne.s32 s0, $0x0;
	_ =	strace $0x90000047  }
0x23: {  	s0 =	sadd.s32 @!p0 $0x100000, s1;
	[bflag:$0x2] =	sbarrier.arrive $0xFFFF  }
0x24: {  	[sflag:s0] =	ssyncadd.tile.s32 @!p0 $0x1;
	_ =	shalt  }
.Lfunc_end2:
_tile_overlayer_lowered:
.L_overlay_start_2:
0x25: {  	(tag) =	ssettag $0x2  }
0x26: {  	s0 =	rddreg [dreg:$0x0];
	s2 =	stileid.u32  }
0x27: {  	s1 =	rddreg [dreg:$0x1];
	p0 =	sne.s32 s2, $0x0  }
0x28: {  	s3 =	rddreg [dreg:$0x2];
	[bflag:$0x3] =	sbarrier.arrive $0xFFFF;
	s2 =	simm.s32 @!p0 $0x1C02  }
0x29: {  	[timem:s3], [sflag:s2] =	dma.local @!p0 [hbm:s0], s1  }
0x2a: {  	s0 =	simm.s32 @!p0 $0x2  }
0x2b: {  	_ =	swait.ge @!p0 [sflag:s0], s1  }
0x2c: {  	s1 =	ssub.s32 @!p0 $0x0, s1;
	[sflag:s0] =	ssyncset.done @!p0 $0x0  }
0x2d: {  	[sflag:s0] =	ssyncadd.s32 @!p0 s1  }
0x2e: {  	[bflag:$0x3] =	sbarrier.arrive $0xFFFF  }
0x2f: {  	_ =	shalt  }

</sc_bundles>
